<compile_context>
chip_gen: v7x
topology: tpu7x:2x2x1
jax: 0.10.2.dev20260603
libtpu: 0.0.44.dev20260713+nightly
codegen_flags: <defaults>
</compile_context>

<pallas_src>
import functools

import jax
import jax.numpy as jnp
from jax import lax
from jax.experimental import pallas as pl
from jax.experimental.pallas import tpu as pltpu
from jax.experimental.pallas import tpu_sc as plsc

NC = 2
NS = 16
LANES = 16
K = 125


def _sc_two_pass(xh, srcs, dsts, dege_pad):
    _, n_pad, half = xh.shape
    _, ch, _ = srcs.shape
    nh_pad = dege_pad.shape[0]
    rpt_v = n_pad // NS
    rpt_e = nh_pad // NS
    nlv = half // LANES

    mesh = plsc.VectorSubcoreMesh(core_axis_name="c", subcore_axis_name="s")

    ZB = 80
    CPB = 40
    nblk = ch // CPB
    assert rpt_v % ZB == 0 and rpt_e % ZB == 0 and ch % CPB == 0

    @functools.partial(
        pl.kernel,
        out_type=jax.ShapeDtypeStruct((NC, n_pad, half), jnp.float32),
        mesh=mesh,
        compiler_params=pltpu.CompilerParams(use_tc_tiling_on_sc=False),
        scratch_types=[
            pltpu.VMEM_SHARED((nh_pad, half), jnp.float32),
            pltpu.VMEM_SHARED((n_pad, half), jnp.float32),
            pltpu.VMEM((ZB, half), jnp.float32),
            pltpu.VMEM((CPB, K), jnp.int32),
            pltpu.VMEM((CPB, K), jnp.int32),
            pltpu.VMEM((K, half), jnp.float32),
            pltpu.VMEM((K, half), jnp.float32),
            pltpu.VMEM((rpt_e,), jnp.float32),
            pltpu.SemaphoreType.DMA,
            pltpu.SemaphoreType.DMA,
            pltpu.SemaphoreType.DMA,
            pltpu.SemaphoreType.DMA,
        ],
    )
    def sc_kernel(xh_hbm, srcs_hbm, dsts_hbm, dege_hbm, out_hbm,
                  xesh, xvsh, zbuf, src_v, dst_v, rows0, rows1, dege_v,
                  semg0, semg1, sems0, sems1):
        cid = lax.axis_index("c")
        sid = lax.axis_index("s")

        def zrow(i, _):
            for l in range(nlv):
                zbuf[i, pl.ds(l * LANES, LANES)] = jnp.zeros((LANES,), jnp.float32)
            return 0
        lax.fori_loop(0, ZB, zrow, 0)

        def ze(b, _):
            pltpu.sync_copy(zbuf, xesh.at[pl.ds(sid * rpt_e + b * ZB, ZB)])
            return 0
        lax.fori_loop(0, rpt_e // ZB, ze, 0)

        def zv(b, _):
            pltpu.sync_copy(zbuf, xvsh.at[pl.ds(sid * rpt_v + b * ZB, ZB)])
            return 0
        lax.fori_loop(0, rpt_v // ZB, zv, 0)

        pltpu.sync_copy(dege_hbm.at[pl.ds(sid * rpt_e, rpt_e)], dege_v)

        plsc.subcore_barrier()

        def run_pass(gsrc, acc, idx_s):
            def blk(b, _):
                pltpu.sync_copy(srcs_hbm.at[sid, pl.ds(b * CPB, CPB)], src_v)
                pltpu.sync_copy(dsts_hbm.at[sid, pl.ds(b * CPB, CPB)], dst_v)
                pltpu.async_copy(gsrc(0), rows0, semg0)

                def step(j2, _):
                    j0 = 2 * j2
                    j1 = j0 + 1
                    pltpu.make_async_copy(gsrc(j0), rows0, semg0).wait()

                    @pl.when(j2 > 0)
                    def _():
                        pltpu.make_async_copy(
                            rows1, acc.at[idx_s.at[j1]], sems1).wait()
                    pltpu.async_copy(gsrc(j1), rows1, semg1)
                    pltpu.async_copy(rows0, acc.at[idx_s.at[j0]], sems0,
                                     add=True)
                    pltpu.make_async_copy(gsrc(j1), rows1, semg1).wait()
                    pltpu.async_copy(rows1, acc.at[idx_s.at[j1]], sems1,
                                     add=True)
                    pltpu.make_async_copy(
                        rows0, acc.at[idx_s.at[j0]], sems0).wait()

                    @pl.when(j2 < CPB // 2 - 1)
                    def _():
                        pltpu.async_copy(gsrc(j0 + 2), rows0, semg0)
                    return 0
                lax.fori_loop(0, CPB // 2, step, 0)
                pltpu.make_async_copy(
                    rows1, acc.at[idx_s.at[CPB - 1]], sems1).wait()
                return 0
            lax.fori_loop(0, nblk, blk, 0)

        run_pass(lambda j: xh_hbm.at[cid].at[src_v.at[j]], xesh, dst_v)

        plsc.subcore_barrier()

        def sblk(b, _):
            base = sid * rpt_e + b * ZB
            pltpu.sync_copy(xesh.at[pl.ds(base, ZB)], zbuf)

            def scale(g, _):
                dvec = dege_v[pl.ds(b * ZB + g * LANES, LANES)]
                for r in range(LANES):
                    sc = dvec[r]
                    row = g * LANES + r
                    for l in range(nlv):
                        zbuf[row, pl.ds(l * LANES, LANES)] = (
                            zbuf[row, pl.ds(l * LANES, LANES)] * sc)
                return 0
            lax.fori_loop(0, ZB // LANES, scale, 0)
            pltpu.sync_copy(zbuf, xesh.at[pl.ds(base, ZB)])
            return 0
        lax.fori_loop(0, rpt_e // ZB, sblk, 0)

        plsc.subcore_barrier()

        run_pass(lambda j: xesh.at[dst_v.at[j]], xvsh, src_v)

        plsc.subcore_barrier()

        def oblk(b, _):
            pltpu.sync_copy(xvsh.at[pl.ds(sid * rpt_v + b * ZB, ZB)], zbuf)
            pltpu.sync_copy(zbuf, out_hbm.at[cid, pl.ds(sid * rpt_v + b * ZB, ZB)])
            return 0
        lax.fori_loop(0, rpt_v // ZB, oblk, 0)

    return sc_kernel(xh, srcs, dsts, dege_pad)


def _tc_finish(xv2, x0, degv, w, alpha, beta):
    n, d = x0.shape
    half = d // NC
    bm = 1000
    grid = (n // bm,)

    def body(a_ref, b_ref, xv_ref, x0_ref, degv_ref, w_ref, o_ref):
        a = a_ref[0]
        b = b_ref[0]
        xv = jnp.concatenate([xv_ref[0], xv_ref[1]], axis=-1)
        xv = xv * degv_ref[...]
        xi = (1.0 - a) * xv + a * x0_ref[...]
        o_ref[...] = (1.0 - b) * xi + b * lax.dot_general(
            xi, w_ref[...], (((1,), (1,)), ((), ())),
            preferred_element_type=jnp.float32)

    return pl.pallas_call(
        body,
        grid=grid,
        in_specs=[
            pl.BlockSpec(memory_space=pltpu.SMEM),
            pl.BlockSpec(memory_space=pltpu.SMEM),
            pl.BlockSpec((NC, bm, half), lambda i: (0, i, 0)),
            pl.BlockSpec((bm, d), lambda i: (i, 0)),
            pl.BlockSpec((bm, 1), lambda i: (i, 0)),
            pl.BlockSpec((d, d), lambda i: (0, 0)),
        ],
        out_specs=pl.BlockSpec((bm, d), lambda i: (i, 0)),
        out_shape=jax.ShapeDtypeStruct((n, d), jnp.float32),
    )(alpha.reshape(1), beta.reshape(1), xv2, x0, degv, w)


def kernel(X, g1_src, g1_dst, X0, alpha, beta, degE, degV, W):
    n, d = X.shape
    nh = degE.shape[0]
    ninc = g1_src.shape[0]
    half = d // NC
    per_tile = ninc // NS
    ch = per_tile // K

    n_pad = ((n + NS * 80 - 1) // (NS * 80)) * (NS * 80)
    xh = X.reshape(n, NC, half).transpose(1, 0, 2)
    xh = jnp.pad(xh, ((0, 0), (0, n_pad - n), (0, 0)))
    srcs = g1_src.reshape(NS, ch, K)
    dsts = g1_dst.reshape(NS, ch, K)
    nh_pad = ((nh + NS * 80 - 1) // (NS * 80)) * (NS * 80)
    dege_pad = jnp.concatenate(
        [degE.reshape(-1), jnp.ones((nh_pad - nh,), jnp.float32)])

    xv2 = _sc_two_pass(xh, srcs, dsts, dege_pad)
    return _tc_finish(xv2, X0, degV, W, alpha, beta)

# --- scband reference (transcript-rebuilt; emitter-appended) ---
"""Pipeline reference for scband-dglhyper-gcniiconv-27831388078180 (READ-ONLY COPY).

The authoritative reference and input builder live on the scoring server;
editing this copy changes nothing except your own understanding.
"""

import jax, jax.numpy as jnp
import numpy as np

N_NODES = 10000
N_HEDGES = 5000
N_INC = 320000
D = 128


def setup_inputs(seed: int = 0) -> dict:
    key = jax.random.key(seed)
    ks = jax.random.split(key, 6)
    X = jax.random.normal(ks[0], (N_NODES, D), dtype=jnp.float32)
    X0 = jax.random.normal(ks[1], (N_NODES, D), dtype=jnp.float32)
    # Hypergraph incidence: g1 is vertex->hyperedge bipartite graph; g2 is its reverse.
    g1_src = jax.random.randint(ks[2], (N_INC,), 0, N_NODES, dtype=jnp.int32)
    g1_dst = jax.random.randint(ks[3], (N_INC,), 0, N_HEDGES, dtype=jnp.int32)
    # hyperg.degE / hyperg.degV: inverse-degree normalizers (per hyperedge / per vertex)
    degE = (1.0 / jnp.maximum(jnp.bincount(g1_dst, length=N_HEDGES), 1)).astype(jnp.float32).reshape(N_HEDGES, 1)
    degV = (1.0 / jnp.maximum(jnp.bincount(g1_src, length=N_NODES), 1)).astype(jnp.float32).reshape(N_NODES, 1)
    # nn.Linear(in_channels, out_channels, bias=False) weight, kaiming-uniform-ish
    bound = 1.0 / np.sqrt(D)
    W = jax.random.uniform(ks[4], (D, D), dtype=jnp.float32, minval=-bound, maxval=bound)
    alpha = jnp.float32(0.1)
    beta = jnp.float32(0.5)
    return {"X": X, "g1_src": g1_src, "g1_dst": g1_dst, "X0": X0, "alpha": alpha, "beta": beta, "degE": degE, "degV": degV, "W": W}


def reference(X, g1_src, g1_dst, X0, alpha, beta, degE, degV, W):
    # Xe = dgl.ops.copy_u_sum(g1, X): gather node feats along incidence, scatter-add into hyperedges
    Xe = jax.ops.segment_sum(jnp.take(X, g1_src, axis=0), g1_dst, num_segments=N_HEDGES)
    Xe = Xe * degE
    # Xv = dgl.ops.copy_u_sum(g2, Xe): gather hyperedge feats, scatter-add back into vertices
    Xv = jax.ops.segment_sum(jnp.take(Xe, g1_dst, axis=0), g1_src, num_segments=N_NODES)
    Xv = Xv * degV
    Xi = (1.0 - alpha) * Xv + alpha * X0
    out = (1.0 - beta) * Xi + beta * (Xi @ W.T)
    return out

if __name__ == "__main__":
    import jax
    _d = setup_inputs()
    print(jax.jit(kernel)(*tuple(_d.values())))

</pallas_src>

<mosaic_0001>
#map = affine_map<(d0, d1) -> (0, 0, 0)>
#map1 = affine_map<(d0, d1) -> (0)>
module attributes {stable_mosaic.version = 14 : i64} {
  func.func @sc_kernel(%arg0: i32, %arg1: i32, %arg2: memref<2x10240x64xf32, #tpu.memory_space<hbm>>, %arg3: memref<16x160x125xi32, #tpu.memory_space<hbm>>, %arg4: memref<16x160x125xi32, #tpu.memory_space<hbm>>, %arg5: memref<5120xf32, #tpu.memory_space<hbm>>, %arg6: memref<2x10240x64xf32, #tpu.memory_space<hbm>>, %arg7: memref<5120x64xf32, #tpu.memory_space<vmem_shared>>, %arg8: memref<10240x64xf32, #tpu.memory_space<vmem_shared>>, %arg9: memref<80x64xf32, #tpu.memory_space<vmem>>, %arg10: memref<40x125xi32, #tpu.memory_space<vmem>>, %arg11: memref<40x125xi32, #tpu.memory_space<vmem>>, %arg12: memref<125x64xf32, #tpu.memory_space<vmem>>, %arg13: memref<125x64xf32, #tpu.memory_space<vmem>>, %arg14: memref<320xf32, #tpu.memory_space<vmem>>, %arg15: memref<!tpu.dma_semaphore, #tpu.memory_space<semaphore_mem>>, %arg16: memref<!tpu.dma_semaphore, #tpu.memory_space<semaphore_mem>>, %arg17: memref<!tpu.dma_semaphore, #tpu.memory_space<semaphore_mem>>, %arg18: memref<!tpu.dma_semaphore, #tpu.memory_space<semaphore_mem>>) attributes {dimension_semantics = [#tpu.dimension_semantics<core_parallel>, #tpu.dimension_semantics<subcore_parallel>], iteration_bounds = array<i64: 2, 16>, scalar_prefetch = 0 : i64, scratch_operands = 12 : i64, tpu.core_type = #tpu.core_type<sc_vector_subcore>, window_params = [{transform_indices = #map}, {transform_indices = #map}, {transform_indices = #map}, {transform_indices = #map1}, {transform_indices = #map}]} {
    %scan3A = arith.constant 0 : i32
    %scan3A_0 = arith.constant 0 : i32
    %scan3A_1 = arith.constant 80 : i32
    %scan3A_2 = arith.addi %scan3A_0, %scan3A_1 : i32
    %scan3A_3 = arith.constant 1 : i32
    %scan3A_4 = scf.for %scan3A_52 = %scan3A_0 to %scan3A_2 step %scan3A_3 iter_args(%scan3A_53 = %scan3A) -> (i32)  : i32 {
      %broadcast_in_dim3A = arith.constant 0.000000e+00 : f32
      %broadcast_in_dim3A_54 = vector.broadcast %broadcast_in_dim3A : f32 to vector<16xf32>
      %swap3A = arith.index_cast %scan3A_52 : i32 to index
      %swap3A_55 = arith.constant 0 : index
      %swap3A_56 = tpu.vector_load %arg9[%swap3A, %swap3A_55] {strides = array<i32>} : memref<80x64xf32, #tpu.memory_space<vmem>>, vector<1x16xf32>,
      %swap3A_57 = vector.shape_cast %swap3A_56 : vector<1x16xf32> to vector<16xf32>
      %swap3A_58 = vector.shape_cast %broadcast_in_dim3A_54 : vector<16xf32> to vector<1x16xf32>
      tpu.vector_store %arg9[%swap3A, %swap3A_55], %swap3A_58 {strides = array<i32>} : memref<80x64xf32, #tpu.memory_space<vmem>>, vector<1x16xf32>,
      %broadcast_in_dim3A_59 = arith.constant 0.000000e+00 : f32
      %broadcast_in_dim3A_60 = vector.broadcast %broadcast_in_dim3A_59 : f32 to vector<16xf32>
      %swap3A_61 = arith.index_cast %scan3A_52 : i32 to index
      %swap3A_62 = arith.constant 16 : index
      %swap3A_63 = tpu.vector_load %arg9[%swap3A_61, %swap3A_62] {strides = array<i32>} : memref<80x64xf32, #tpu.memory_space<vmem>>, vector<1x16xf32>,
      %swap3A_64 = vector.shape_cast %swap3A_63 : vector<1x16xf32> to vector<16xf32>
      %swap3A_65 = vector.shape_cast %broadcast_in_dim3A_60 : vector<16xf32> to vector<1x16xf32>
      tpu.vector_store %arg9[%swap3A_61, %swap3A_62], %swap3A_65 {strides = array<i32>} : memref<80x64xf32, #tpu.memory_space<vmem>>, vector<1x16xf32>,
      %broadcast_in_dim3A_66 = arith.constant 0.000000e+00 : f32
      %broadcast_in_dim3A_67 = vector.broadcast %broadcast_in_dim3A_66 : f32 to vector<16xf32>
      %swap3A_68 = arith.index_cast %scan3A_52 : i32 to index
      %swap3A_69 = arith.constant 32 : index
      %swap3A_70 = tpu.vector_load %arg9[%swap3A_68, %swap3A_69] {strides = array<i32>} : memref<80x64xf32, #tpu.memory_space<vmem>>, vector<1x16xf32>,
      %swap3A_71 = vector.shape_cast %swap3A_70 : vector<1x16xf32> to vector<16xf32>
      %swap3A_72 = vector.shape_cast %broadcast_in_dim3A_67 : vector<16xf32> to vector<1x16xf32>
      tpu.vector_store %arg9[%swap3A_68, %swap3A_69], %swap3A_72 {strides = array<i32>} : memref<80x64xf32, #tpu.memory_space<vmem>>, vector<1x16xf32>,
      %broadcast_in_dim3A_73 = arith.constant 0.000000e+00 : f32
      %broadcast_in_dim3A_74 = vector.broadcast %broadcast_in_dim3A_73 : f32 to vector<16xf32>
      %swap3A_75 = arith.index_cast %scan3A_52 : i32 to index
      %swap3A_76 = arith.constant 48 : index
      %swap3A_77 = tpu.vector_load %arg9[%swap3A_75, %swap3A_76] {strides = array<i32>} : memref<80x64xf32, #tpu.memory_space<vmem>>, vector<1x16xf32>,
      %swap3A_78 = vector.shape_cast %swap3A_77 : vector<1x16xf32> to vector<16xf32>
      %swap3A_79 = vector.shape_cast %broadcast_in_dim3A_74 : vector<16xf32> to vector<1x16xf32>
      tpu.vector_store %arg9[%swap3A_75, %swap3A_76], %swap3A_79 {strides = array<i32>} : memref<80x64xf32, #tpu.memory_space<vmem>>, vector<1x16xf32>,
      %scan3A_80 = arith.constant 0 : i32
      scf.yield %scan3A_80 : i32
    }
    %scan3A_5 = arith.constant 80 : i32
    %scan3A_6 = arith.constant 0 : i32
    %scan3A_7 = arith.constant 0 : i32
    %scan3A_8 = arith.constant 4 : i32
    %scan3A_9 = arith.addi %scan3A_7, %scan3A_8 : i32
    %scan3A_10 = arith.constant 1 : i32
    %scan3A_11 = scf.for %scan3A_52 = %scan3A_7 to %scan3A_9 step %scan3A_10 iter_args(%scan3A_53 = %scan3A_6) -> (i32)  : i32 {
      %mul3A_54 = arith.constant 320 : i32
      %mul3A_55 = arith.muli %arg1, %mul3A_54 : i32
      %mul3A_56 = arith.constant 80 : i32
      %mul3A_57 = arith.muli %scan3A_52, %mul3A_56 : i32
      %add3A = arith.addi %mul3A_55, %mul3A_57 : i32
      "tpu.region"() ({
        %run_scoped3A = tpu.sem_alloc : memref<!tpu.dma_semaphore, #tpu.memory_space<semaphore_mem>>
        %dma_start3A = arith.constant 0 : i32
        %dma_start3A_59 = tpu.memref_slice %arg7[%add3A, %dma_start3A] : memref<5120x64xf32, #tpu.memory_space<vmem_shared>> -> memref<80x64xf32, #tpu.memory_space<vmem_shared>>
        %dma_start3A_60 = arith.constant 0 : i32
        %dma_start3A_61 = tpu.memref_slice %arg7[%add3A, %dma_start3A_60] : memref<5120x64xf32, #tpu.memory_space<vmem_shared>> -> memref<80x64xf32, #tpu.memory_space<vmem_shared>>
        tpu.enqueue_dma source(%arg9 : memref<80x64xf32, #tpu.memory_space<vmem>>) target(%dma_start3A_61 : memref<80x64xf32, #tpu.memory_space<vmem_shared>>) target_semaphore(%run_scoped3A : memref<!tpu.dma_semaphore, #tpu.memory_space<semaphore_mem>>)
        %dma_wait3A = arith.constant 0 : i32
        %dma_wait3A_62 = tpu.memref_slice %arg7[%add3A, %dma_wait3A] : memref<5120x64xf32, #tpu.memory_space<vmem_shared>> -> memref<80x64xf32, #tpu.memory_space<vmem_shared>>
        %dma_wait3A_63 = arith.constant 0 : i32
        %dma_wait3A_64 = tpu.memref_slice %arg7[%add3A, %dma_wait3A_63] : memref<5120x64xf32, #tpu.memory_space<vmem_shared>> -> memref<80x64xf32, #tpu.memory_space<vmem_shared>>
        tpu.wait_dma2 semaphore(%run_scoped3A : memref<!tpu.dma_semaphore, #tpu.memory_space<semaphore_mem>>) src(%arg9 : memref<80x64xf32, #tpu.memory_space<vmem>>) dst(%dma_wait3A_64 : memref<80x64xf32, #tpu.memory_space<vmem_shared>>)
        tpu.yield
      }) : () -> ()
      %scan3A_58 = arith.constant 0 : i32
      scf.yield %scan3A_58 : i32
    }
    %scan3A_12 = arith.constant 4 : i32
    %scan3A_13 = arith.constant 0 : i32
    %scan3A_14 = arith.constant 0 : i32
    %scan3A_15 = arith.constant 8 : i32
    %scan3A_16 = arith.addi %scan3A_14, %scan3A_15 : i32
    %scan3A_17 = arith.constant 1 : i32
    %scan3A_18 = scf.for %scan3A_52 = %scan3A_14 to %scan3A_16 step %scan3A_17 iter_args(%scan3A_53 = %scan3A_13) -> (i32)  : i32 {
      %mul3A_54 = arith.constant 640 : i32
      %mul3A_55 = arith.muli %arg1, %mul3A_54 : i32
      %mul3A_56 = arith.constant 80 : i32
      %mul3A_57 = arith.muli %scan3A_52, %mul3A_56 : i32
      %add3A = arith.addi %mul3A_55, %mul3A_57 : i32
      "tpu.region"() ({
        %run_scoped3A = tpu.sem_alloc : memref<!tpu.dma_semaphore, #tpu.memory_space<semaphore_mem>>
        %dma_start3A = arith.constant 0 : i32
        %dma_start3A_59 = tpu.memref_slice %arg8[%add3A, %dma_start3A] : memref<10240x64xf32, #tpu.memory_space<vmem_shared>> -> memref<80x64xf32, #tpu.memory_space<vmem_shared>>
        %dma_start3A_60 = arith.constant 0 : i32
        %dma_start3A_61 = tpu.memref_slice %arg8[%add3A, %dma_start3A_60] : memref<10240x64xf32, #tpu.memory_space<vmem_shared>> -> memref<80x64xf32, #tpu.memory_space<vmem_shared>>
        tpu.enqueue_dma source(%arg9 : memref<80x64xf32, #tpu.memory_space<vmem>>) target(%dma_start3A_61 : memref<80x64xf32, #tpu.memory_space<vmem_shared>>) target_semaphore(%run_scoped3A : memref<!tpu.dma_semaphore, #tpu.memory_space<semaphore_mem>>)
        %dma_wait3A = arith.constant 0 : i32
        %dma_wait3A_62 = tpu.memref_slice %arg8[%add3A, %dma_wait3A] : memref<10240x64xf32, #tpu.memory_space<vmem_shared>> -> memref<80x64xf32, #tpu.memory_space<vmem_shared>>
        %dma_wait3A_63 = arith.constant 0 : i32
        %dma_wait3A_64 = tpu.memref_slice %arg8[%add3A, %dma_wait3A_63] : memref<10240x64xf32, #tpu.memory_space<vmem_shared>> -> memref<80x64xf32, #tpu.memory_space<vmem_shared>>
        tpu.wait_dma2 semaphore(%run_scoped3A : memref<!tpu.dma_semaphore, #tpu.memory_space<semaphore_mem>>) src(%arg9 : memref<80x64xf32, #tpu.memory_space<vmem>>) dst(%dma_wait3A_64 : memref<80x64xf32, #tpu.memory_space<vmem_shared>>)
        tpu.yield
      }) : () -> ()
      %scan3A_58 = arith.constant 0 : i32
      scf.yield %scan3A_58 : i32
    }
    %scan3A_19 = arith.constant 8 : i32
    %mul3A = arith.constant 320 : i32
    %mul3A_20 = arith.muli %arg1, %mul3A : i32
    "tpu.region"() ({
      %run_scoped3A = tpu.sem_alloc : memref<!tpu.dma_semaphore, #tpu.memory_space<semaphore_mem>>
      %dma_start3A = tpu.memref_slice %arg5[%mul3A_20] : memref<5120xf32, #tpu.memory_space<hbm>> -> memref<320xf32, #tpu.memory_space<hbm>>
      %dma_start3A_52 = tpu.memref_slice %arg5[%mul3A_20] : memref<5120xf32, #tpu.memory_space<hbm>> -> memref<320xf32, #tpu.memory_space<hbm>>
      tpu.enqueue_dma source(%dma_start3A_52 : memref<320xf32, #tpu.memory_space<hbm>>) target(%arg14 : memref<320xf32, #tpu.memory_space<vmem>>) target_semaphore(%run_scoped3A : memref<!tpu.dma_semaphore, #tpu.memory_space<semaphore_mem>>)
      %dma_wait3A = tpu.memref_slice %arg5[%mul3A_20] : memref<5120xf32, #tpu.memory_space<hbm>> -> memref<320xf32, #tpu.memory_space<hbm>>
      %dma_wait3A_53 = tpu.memref_slice %arg5[%mul3A_20] : memref<5120xf32, #tpu.memory_space<hbm>> -> memref<320xf32, #tpu.memory_space<hbm>>
      tpu.wait_dma2 semaphore(%run_scoped3A : memref<!tpu.dma_semaphore, #tpu.memory_space<semaphore_mem>>) src(%dma_wait3A_53 : memref<320xf32, #tpu.memory_space<hbm>>) dst(%arg14 : memref<320xf32, #tpu.memory_space<vmem>>)
      tpu.yield
    }) : () -> ()
    %barrier3A = arith.constant 0 : index
    tpu.barrier barrier_id(%barrier3A)
    %scan3A_21 = arith.constant 0 : i32
    %scan3A_22 = arith.constant 0 : i32
    %scan3A_23 = arith.constant 4 : i32
    %scan3A_24 = arith.addi %scan3A_22, %scan3A_23 : i32
    %scan3A_25 = arith.constant 1 : i32
    %scan3A_26 = scf.for %scan3A_52 = %scan3A_22 to %scan3A_24 step %scan3A_25 iter_args(%scan3A_53 = %scan3A_21) -> (i32)  : i32 {
      %mul3A_54 = arith.constant 40 : i32
      %mul3A_55 = arith.muli %scan3A_52, %mul3A_54 : i32
      "tpu.region"() ({
        %run_scoped3A = tpu.sem_alloc : memref<!tpu.dma_semaphore, #tpu.memory_space<semaphore_mem>>
        %dma_start3A_82 = arith.constant 0 : i32
        %dma_start3A_83 = tpu.memref_slice %arg3[%arg1, %mul3A_55, %dma_start3A_82] : memref<16x160x125xi32, #tpu.memory_space<hbm>> -> memref<1x40x125xi32, #tpu.memory_space<hbm>>
        %dma_start3A_84 = tpu.memref_squeeze %dma_start3A_83 : memref<1x40x125xi32, #tpu.memory_space<hbm>> -> memref<40x125xi32, #tpu.memory_space<hbm>>
        %dma_start3A_85 = arith.constant 0 : i32
        %dma_start3A_86 = tpu.memref_slice %arg3[%arg1, %mul3A_55, %dma_start3A_85] : memref<16x160x125xi32, #tpu.memory_space<hbm>> -> memref<1x40x125xi32, #tpu.memory_space<hbm>>
        %dma_start3A_87 = tpu.memref_squeeze %dma_start3A_86 : memref<1x40x125xi32, #tpu.memory_space<hbm>> -> memref<40x125xi32, #tpu.memory_space<hbm>>
        tpu.enqueue_dma source(%dma_start3A_87 : memref<40x125xi32, #tpu.memory_space<hbm>>) target(%arg10 : memref<40x125xi32, #tpu.memory_space<vmem>>) target_semaphore(%run_scoped3A : memref<!tpu.dma_semaphore, #tpu.memory_space<semaphore_mem>>)
        %dma_wait3A_88 = arith.constant 0 : i32
        %dma_wait3A_89 = tpu.memref_slice %arg3[%arg1, %mul3A_55, %dma_wait3A_88] : memref<16x160x125xi32, #tpu.memory_space<hbm>> -> memref<1x40x125xi32, #tpu.memory_space<hbm>>
        %dma_wait3A_90 = tpu.memref_squeeze %dma_wait3A_89 : memref<1x40x125xi32, #tpu.memory_space<hbm>> -> memref<40x125xi32, #tpu.memory_space<hbm>>
        %dma_wait3A_91 = arith.constant 0 : i32
        %dma_wait3A_92 = tpu.memref_slice %arg3[%arg1, %mul3A_55, %dma_wait3A_91] : memref<16x160x125xi32, #tpu.memory_space<hbm>> -> memref<1x40x125xi32, #tpu.memory_space<hbm>>
        %dma_wait3A_93 = tpu.memref_squeeze %dma_wait3A_92 : memref<1x40x125xi32, #tpu.memory_space<hbm>> -> memref<40x125xi32, #tpu.memory_space<hbm>>
        tpu.wait_dma2 semaphore(%run_scoped3A : memref<!tpu.dma_semaphore, #tpu.memory_space<semaphore_mem>>) src(%dma_wait3A_93 : memref<40x125xi32, #tpu.memory_space<hbm>>) dst(%arg10 : memref<40x125xi32, #tpu.memory_space<vmem>>)
        tpu.yield
      }) : () -> ()
      %mul3A_56 = arith.constant 40 : i32
      %mul3A_57 = arith.muli %scan3A_52, %mul3A_56 : i32
      "tpu.region"() ({
        %run_scoped3A = tpu.sem_alloc : memref<!tpu.dma_semaphore, #tpu.memory_space<semaphore_mem>>
        %dma_start3A_82 = arith.constant 0 : i32
        %dma_start3A_83 = tpu.memref_slice %arg4[%arg1, %mul3A_57, %dma_start3A_82] : memref<16x160x125xi32, #tpu.memory_space<hbm>> -> memref<1x40x125xi32, #tpu.memory_space<hbm>>
        %dma_start3A_84 = tpu.memref_squeeze %dma_start3A_83 : memref<1x40x125xi32, #tpu.memory_space<hbm>> -> memref<40x125xi32, #tpu.memory_space<hbm>>
        %dma_start3A_85 = arith.constant 0 : i32
        %dma_start3A_86 = tpu.memref_slice %arg4[%arg1, %mul3A_57, %dma_start3A_85] : memref<16x160x125xi32, #tpu.memory_space<hbm>> -> memref<1x40x125xi32, #tpu.memory_space<hbm>>
        %dma_start3A_87 = tpu.memref_squeeze %dma_start3A_86 : memref<1x40x125xi32, #tpu.memory_space<hbm>> -> memref<40x125xi32, #tpu.memory_space<hbm>>
        tpu.enqueue_dma source(%dma_start3A_87 : memref<40x125xi32, #tpu.memory_space<hbm>>) target(%arg11 : memref<40x125xi32, #tpu.memory_space<vmem>>) target_semaphore(%run_scoped3A : memref<!tpu.dma_semaphore, #tpu.memory_space<semaphore_mem>>)
        %dma_wait3A_88 = arith.constant 0 : i32
        %dma_wait3A_89 = tpu.memref_slice %arg4[%arg1, %mul3A_57, %dma_wait3A_88] : memref<16x160x125xi32, #tpu.memory_space<hbm>> -> memref<1x40x125xi32, #tpu.memory_space<hbm>>
        %dma_wait3A_90 = tpu.memref_squeeze %dma_wait3A_89 : memref<1x40x125xi32, #tpu.memory_space<hbm>> -> memref<40x125xi32, #tpu.memory_space<hbm>>
        %dma_wait3A_91 = arith.constant 0 : i32
        %dma_wait3A_92 = tpu.memref_slice %arg4[%arg1, %mul3A_57, %dma_wait3A_91] : memref<16x160x125xi32, #tpu.memory_space<hbm>> -> memref<1x40x125xi32, #tpu.memory_space<hbm>>
        %dma_wait3A_93 = tpu.memref_squeeze %dma_wait3A_92 : memref<1x40x125xi32, #tpu.memory_space<hbm>> -> memref<40x125xi32, #tpu.memory_space<hbm>>
        tpu.wait_dma2 semaphore(%run_scoped3A : memref<!tpu.dma_semaphore, #tpu.memory_space<semaphore_mem>>) src(%dma_wait3A_93 : memref<40x125xi32, #tpu.memory_space<hbm>>) dst(%arg11 : memref<40x125xi32, #tpu.memory_space<vmem>>)
        tpu.yield
      }) : () -> ()
      %dma_start3A = arith.constant 0 : i32
      %dma_start3A_58 = arith.constant 0 : i32
      %dma_start3A_59 = tpu.memref_slice %arg10[%dma_start3A, %dma_start3A_58] : memref<40x125xi32, #tpu.memory_space<vmem>> -> memref<1x125xi32, #tpu.memory_space<vmem>>
      %dma_start3A_60 = tpu.memref_squeeze %dma_start3A_59 : memref<1x125xi32, #tpu.memory_space<vmem>> -> memref<125xi32, #tpu.memory_space<vmem>>
      %dma_start3A_61 = arith.constant 0 : i32
      %dma_start3A_62 = arith.constant 0 : i32
      %dma_start3A_63 = tpu.memref_slice %arg2[%arg0, %dma_start3A_61, %dma_start3A_62] : memref<2x10240x64xf32, #tpu.memory_space<hbm>> -> memref<1x10240x64xf32, #tpu.memory_space<hbm>>
      %dma_start3A_64 = tpu.memref_squeeze %dma_start3A_63 : memref<1x10240x64xf32, #tpu.memory_space<hbm>> -> memref<10240x64xf32, #tpu.memory_space<hbm>>
      %dma_start3A_65 = arith.constant 0 : i32
      %dma_start3A_66 = arith.constant 0 : i32
      %dma_start3A_67 = tpu.memref_slice %dma_start3A_64[%dma_start3A_65, %dma_start3A_66] : memref<10240x64xf32, #tpu.memory_space<hbm>> -> memref<10240x64xf32, #tpu.memory_space<hbm>>
      tpu.enqueue_indirect_dma source(%dma_start3A_67 : memref<10240x64xf32, #tpu.memory_space<hbm>>) target(%arg12 : memref<125x64xf32, #tpu.memory_space<vmem>>) offsets(%dma_start3A_60 : memref<125xi32, #tpu.memory_space<vmem>>) semaphore(%arg15 : memref<!tpu.dma_semaphore, #tpu.memory_space<semaphore_mem>>)
      %scan3A_68 = arith.constant 0 : i32
      %scan3A_69 = arith.constant 0 : i32
      %scan3A_70 = arith.constant 20 : i32
      %scan3A_71 = arith.addi %scan3A_69, %scan3A_70 : i32
      %scan3A_72 = arith.constant 1 : i32
      %scan3A_73 = scf.for %scan3A_82 = %scan3A_69 to %scan3A_71 step %scan3A_72 iter_args(%scan3A_83 = %scan3A_68) -> (i32)  : i32 {
        %mul3A_84 = arith.constant 2 : i32
        %mul3A_85 = arith.muli %mul3A_84, %scan3A_82 : i32
        %add3A = arith.constant 1 : i32
        %add3A_86 = arith.addi %mul3A_85, %add3A : i32
        %dma_wait3A_87 = arith.constant 0 : i32
        %dma_wait3A_88 = tpu.memref_slice %arg10[%mul3A_85, %dma_wait3A_87] : memref<40x125xi32, #tpu.memory_space<vmem>> -> memref<1x125xi32, #tpu.memory_space<vmem>>
        %dma_wait3A_89 = tpu.memref_squeeze %dma_wait3A_88 : memref<1x125xi32, #tpu.memory_space<vmem>> -> memref<125xi32, #tpu.memory_space<vmem>>
        %dma_wait3A_90 = arith.constant 0 : i32
        %dma_wait3A_91 = arith.constant 0 : i32
        %dma_wait3A_92 = tpu.memref_slice %arg2[%arg0, %dma_wait3A_90, %dma_wait3A_91] : memref<2x10240x64xf32, #tpu.memory_space<hbm>> -> memref<1x10240x64xf32, #tpu.memory_space<hbm>>
        %dma_wait3A_93 = tpu.memref_squeeze %dma_wait3A_92 : memref<1x10240x64xf32, #tpu.memory_space<hbm>> -> memref<10240x64xf32, #tpu.memory_space<hbm>>
        %dma_wait3A_94 = arith.constant 0 : i32
        %dma_wait3A_95 = arith.constant 0 : i32
        %dma_wait3A_96 = tpu.memref_slice %dma_wait3A_93[%dma_wait3A_94, %dma_wait3A_95] : memref<10240x64xf32, #tpu.memory_space<hbm>> -> memref<10240x64xf32, #tpu.memory_space<hbm>>
        tpu.wait_indirect_dma semaphore(%arg15 : memref<!tpu.dma_semaphore, #tpu.memory_space<semaphore_mem>>) src(%dma_wait3A_96 : memref<10240x64xf32, #tpu.memory_space<hbm>>) dst(%arg12 : memref<125x64xf32, #tpu.memory_space<vmem>>)
        %gt3A = arith.constant 0 : i32
        %gt3A_97 = arith.cmpi sgt, %scan3A_82, %gt3A : i32
        %convert_element_type3A = arith.extui %gt3A_97 : i1 to i32
        %cond3A = arith.constant 0 : i32
        %cond3A_98 = arith.cmpi ne, %convert_element_type3A, %cond3A : i32
        scf.if %cond3A_98 {
          %dma_wait3A_142 = arith.constant 0 : i32
          %dma_wait3A_143 = tpu.memref_slice %arg11[%add3A_86, %dma_wait3A_142] : memref<40x125xi32, #tpu.memory_space<vmem>> -> memref<1x125xi32, #tpu.memory_space<vmem>>
          %dma_wait3A_144 = tpu.memref_squeeze %dma_wait3A_143 : memref<1x125xi32, #tpu.memory_space<vmem>> -> memref<125xi32, #tpu.memory_space<vmem>>
          %dma_wait3A_145 = arith.constant 0 : i32
          %dma_wait3A_146 = arith.constant 0 : i32
          %dma_wait3A_147 = tpu.memref_slice %arg7[%dma_wait3A_145, %dma_wait3A_146] : memref<5120x64xf32, #tpu.memory_space<vmem_shared>> -> memref<5120x64xf32, #tpu.memory_space<vmem_shared>>
          tpu.wait_indirect_dma semaphore(%arg18 : memref<!tpu.dma_semaphore, #tpu.memory_space<semaphore_mem>>) src(%arg13 : memref<125x64xf32, #tpu.memory_space<vmem>>) dst(%dma_wait3A_147 : memref<5120x64xf32, #tpu.memory_space<vmem_shared>>)
        } else {
        }
        %dma_start3A_99 = arith.constant 0 : i32
        %dma_start3A_100 = tpu.memref_slice %arg10[%add3A_86, %dma_start3A_99] : memref<40x125xi32, #tpu.memory_space<vmem>> -> memref<1x125xi32, #tpu.memory_space<vmem>>
        %dma_start3A_101 = tpu.memref_squeeze %dma_start3A_100 : memref<1x125xi32, #tpu.memory_space<vmem>> -> memref<125xi32, #tpu.memory_space<vmem>>
        %dma_start3A_102 = arith.constant 0 : i32
        %dma_start3A_103 = arith.constant 0 : i32
        %dma_start3A_104 = tpu.memref_slice %arg2[%arg0, %dma_start3A_102, %dma_start3A_103] : memref<2x10240x64xf32, #tpu.memory_space<hbm>> -> memref<1x10240x64xf32, #tpu.memory_space<hbm>>
        %dma_start3A_105 = tpu.memref_squeeze %dma_start3A_104 : memref<1x10240x64xf32, #tpu.memory_space<hbm>> -> memref<10240x64xf32, #tpu.memory_space<hbm>>
        %dma_start3A_106 = arith.constant 0 : i32
        %dma_start3A_107 = arith.constant 0 : i32
        %dma_start3A_108 = tpu.memref_slice %dma_start3A_105[%dma_start3A_106, %dma_start3A_107] : memref<10240x64xf32, #tpu.memory_space<hbm>> -> memref<10240x64xf32, #tpu.memory_space<hbm>>
        tpu.enqueue_indirect_dma source(%dma_start3A_108 : memref<10240x64xf32, #tpu.memory_space<hbm>>) target(%arg13 : memref<125x64xf32, #tpu.memory_space<vmem>>) offsets(%dma_start3A_101 : memref<125xi32, #tpu.memory_space<vmem>>) semaphore(%arg16 : memref<!tpu.dma_semaphore, #tpu.memory_space<semaphore_mem>>)
        %dma_start3A_109 = arith.constant 0 : i32
        %dma_start3A_110 = tpu.memref_slice %arg11[%mul3A_85, %dma_start3A_109] : memref<40x125xi32, #tpu.memory_space<vmem>> -> memref<1x125xi32, #tpu.memory_space<vmem>>
        %dma_start3A_111 = tpu.memref_squeeze %dma_start3A_110 : memref<1x125xi32, #tpu.memory_space<vmem>> -> memref<125xi32, #tpu.memory_space<vmem>>
        %dma_start3A_112 = arith.constant 0 : i32
        %dma_start3A_113 = arith.constant 0 : i32
        %dma_start3A_114 = tpu.memref_slice %arg7[%dma_start3A_112, %dma_start3A_113] : memref<5120x64xf32, #tpu.memory_space<vmem_shared>> -> memref<5120x64xf32, #tpu.memory_space<vmem_shared>>
        tpu.enqueue_indirect_dma source(%arg12 : memref<125x64xf32, #tpu.memory_space<vmem>>) target(%dma_start3A_114 : memref<5120x64xf32, #tpu.memory_space<vmem_shared>>) offsets(%dma_start3A_111 : memref<125xi32, #tpu.memory_space<vmem>>) semaphore(%arg17 : memref<!tpu.dma_semaphore, #tpu.memory_space<semaphore_mem>>) {add = true}
        %dma_wait3A_115 = arith.constant 0 : i32
        %dma_wait3A_116 = tpu.memref_slice %arg10[%add3A_86, %dma_wait3A_115] : memref<40x125xi32, #tpu.memory_space<vmem>> -> memref<1x125xi32, #tpu.memory_space<vmem>>
        %dma_wait3A_117 = tpu.memref_squeeze %dma_wait3A_116 : memref<1x125xi32, #tpu.memory_space<vmem>> -> memref<125xi32, #tpu.memory_space<vmem>>
        %dma_wait3A_118 = arith.constant 0 : i32
        %dma_wait3A_119 = arith.constant 0 : i32
        %dma_wait3A_120 = tpu.memref_slice %arg2[%arg0, %dma_wait3A_118, %dma_wait3A_119] : memref<2x10240x64xf32, #tpu.memory_space<hbm>> -> memref<1x10240x64xf32, #tpu.memory_space<hbm>>
        %dma_wait3A_121 = tpu.memref_squeeze %dma_wait3A_120 : memref<1x10240x64xf32, #tpu.memory_space<hbm>> -> memref<10240x64xf32, #tpu.memory_space<hbm>>
        %dma_wait3A_122 = arith.constant 0 : i32
        %dma_wait3A_123 = arith.constant 0 : i32
        %dma_wait3A_124 = tpu.memref_slice %dma_wait3A_121[%dma_wait3A_122, %dma_wait3A_123] : memref<10240x64xf32, #tpu.memory_space<hbm>> -> memref<10240x64xf32, #tpu.memory_space<hbm>>
        tpu.wait_indirect_dma semaphore(%arg16 : memref<!tpu.dma_semaphore, #tpu.memory_space<semaphore_mem>>) src(%dma_wait3A_124 : memref<10240x64xf32, #tpu.memory_space<hbm>>) dst(%arg13 : memref<125x64xf32, #tpu.memory_space<vmem>>)
        %dma_start3A_125 = arith.constant 0 : i32
        %dma_start3A_126 = tpu.memref_slice %arg11[%add3A_86, %dma_start3A_125] : memref<40x125xi32, #tpu.memory_space<vmem>> -> memref<1x125xi32, #tpu.memory_space<vmem>>
        %dma_start3A_127 = tpu.memref_squeeze %dma_start3A_126 : memref<1x125xi32, #tpu.memory_space<vmem>> -> memref<125xi32, #tpu.memory_space<vmem>>
        %dma_start3A_128 = arith.constant 0 : i32
        %dma_start3A_129 = arith.constant 0 : i32
        %dma_start3A_130 = tpu.memref_slice %arg7[%dma_start3A_128, %dma_start3A_129] : memref<5120x64xf32, #tpu.memory_space<vmem_shared>> -> memref<5120x64xf32, #tpu.memory_space<vmem_shared>>
        tpu.enqueue_indirect_dma source(%arg13 : memref<125x64xf32, #tpu.memory_space<vmem>>) target(%dma_start3A_130 : memref<5120x64xf32, #tpu.memory_space<vmem_shared>>) offsets(%dma_start3A_127 : memref<125xi32, #tpu.memory_space<vmem>>) semaphore(%arg18 : memref<!tpu.dma_semaphore, #tpu.memory_space<semaphore_mem>>) {add = true}
        %dma_wait3A_131 = arith.constant 0 : i32
        %dma_wait3A_132 = tpu.memref_slice %arg11[%mul3A_85, %dma_wait3A_131] : memref<40x125xi32, #tpu.memory_space<vmem>> -> memref<1x125xi32, #tpu.memory_space<vmem>>
        %dma_wait3A_133 = tpu.memref_squeeze %dma_wait3A_132 : memref<1x125xi32, #tpu.memory_space<vmem>> -> memref<125xi32, #tpu.memory_space<vmem>>
        %dma_wait3A_134 = arith.constant 0 : i32
        %dma_wait3A_135 = arith.constant 0 : i32
        %dma_wait3A_136 = tpu.memref_slice %arg7[%dma_wait3A_134, %dma_wait3A_135] : memref<5120x64xf32, #tpu.memory_space<vmem_shared>> -> memref<5120x64xf32, #tpu.memory_space<vmem_shared>>
        tpu.wait_indirect_dma semaphore(%arg17 : memref<!tpu.dma_semaphore, #tpu.memory_space<semaphore_mem>>) src(%arg12 : memref<125x64xf32, #tpu.memory_space<vmem>>) dst(%dma_wait3A_136 : memref<5120x64xf32, #tpu.memory_space<vmem_shared>>)
        %lt3A = arith.constant 19 : i32
        %lt3A_137 = arith.cmpi slt, %scan3A_82, %lt3A : i32
        %convert_element_type3A_138 = arith.extui %lt3A_137 : i1 to i32
        %cond3A_139 = arith.constant 0 : i32
        %cond3A_140 = arith.cmpi ne, %convert_element_type3A_138, %cond3A_139 : i32
        scf.if %cond3A_140 {
          %add3A_142 = arith.constant 2 : i32
          %add3A_143 = arith.addi %mul3A_85, %add3A_142 : i32
          %dma_start3A_144 = arith.constant 0 : i32
          %dma_start3A_145 = tpu.memref_slice %arg10[%add3A_143, %dma_start3A_144] : memref<40x125xi32, #tpu.memory_space<vmem>> -> memref<1x125xi32, #tpu.memory_space<vmem>>
          %dma_start3A_146 = tpu.memref_squeeze %dma_start3A_145 : memref<1x125xi32, #tpu.memory_space<vmem>> -> memref<125xi32, #tpu.memory_space<vmem>>
          %dma_start3A_147 = arith.constant 0 : i32
          %dma_start3A_148 = arith.constant 0 : i32
          %dma_start3A_149 = tpu.memref_slice %arg2[%arg0, %dma_start3A_147, %dma_start3A_148] : memref<2x10240x64xf32, #tpu.memory_space<hbm>> -> memref<1x10240x64xf32, #tpu.memory_space<hbm>>
          %dma_start3A_150 = tpu.memref_squeeze %dma_start3A_149 : memref<1x10240x64xf32, #tpu.memory_space<hbm>> -> memref<10240x64xf32, #tpu.memory_space<hbm>>
          %dma_start3A_151 = arith.constant 0 : i32
          %dma_start3A_152 = arith.constant 0 : i32
          %dma_start3A_153 = tpu.memref_slice %dma_start3A_150[%dma_start3A_151, %dma_start3A_152] : memref<10240x64xf32, #tpu.memory_space<hbm>> -> memref<10240x64xf32, #tpu.memory_space<hbm>>
          tpu.enqueue_indirect_dma source(%dma_start3A_153 : memref<10240x64xf32, #tpu.memory_space<hbm>>) target(%arg12 : memref<125x64xf32, #tpu.memory_space<vmem>>) offsets(%dma_start3A_146 : memref<125xi32, #tpu.memory_space<vmem>>) semaphore(%arg15 : memref<!tpu.dma_semaphore, #tpu.memory_space<semaphore_mem>>)
        } else {
        }
        %scan3A_141 = arith.constant 0 : i32
        scf.yield %scan3A_141 : i32
      }
      %scan3A_74 = arith.constant 20 : i32
      %dma_wait3A = arith.constant 39 : i32
      %dma_wait3A_75 = arith.constant 0 : i32
      %dma_wait3A_76 = tpu.memref_slice %arg11[%dma_wait3A, %dma_wait3A_75] : memref<40x125xi32, #tpu.memory_space<vmem>> -> memref<1x125xi32, #tpu.memory_space<vmem>>
      %dma_wait3A_77 = tpu.memref_squeeze %dma_wait3A_76 : memref<1x125xi32, #tpu.memory_space<vmem>> -> memref<125xi32, #tpu.memory_space<vmem>>
      %dma_wait3A_78 = arith.constant 0 : i32
      %dma_wait3A_79 = arith.constant 0 : i32
      %dma_wait3A_80 = tpu.memref_slice %arg7[%dma_wait3A_78, %dma_wait3A_79] : memref<5120x64xf32, #tpu.memory_space<vmem_shared>> -> memref<5120x64xf32, #tpu.memory_space<vmem_shared>>
      tpu.wait_indirect_dma semaphore(%arg18 : memref<!tpu.dma_semaphore, #tpu.memory_space<semaphore_mem>>) src(%arg13 : memref<125x64xf32, #tpu.memory_space<vmem>>) dst(%dma_wait3A_80 : memref<5120x64xf32, #tpu.memory_space<vmem_shared>>)
      %scan3A_81 = arith.constant 0 : i32
      scf.yield %scan3A_81 : i32
    }
    %scan3A_27 = arith.constant 4 : i32
    %barrier3A_28 = arith.constant 0 : index
    tpu.barrier barrier_id(%barrier3A_28)
    %scan3A_29 = arith.constant 0 : i32
    %scan3A_30 = arith.constant 0 : i32
    %scan3A_31 = arith.constant 4 : i32
    %scan3A_32 = arith.addi %scan3A_30, %scan3A_31 : i32
    %scan3A_33 = arith.constant 1 : i32
    %scan3A_34 = scf.for %scan3A_52 = %scan3A_30 to %scan3A_32 step %scan3A_33 iter_args(%scan3A_53 = %scan3A_29) -> (i32)  : i32 {
      %mul3A_54 = arith.constant 320 : i32
      %mul3A_55 = arith.muli %arg1, %mul3A_54 : i32
      %mul3A_56 = arith.constant 80 : i32
      %mul3A_57 = arith.muli %scan3A_52, %mul3A_56 : i32
      %add3A = arith.addi %mul3A_55, %mul3A_57 : i32
      "tpu.region"() ({
        %run_scoped3A = tpu.sem_alloc : memref<!tpu.dma_semaphore, #tpu.memory_space<semaphore_mem>>
        %dma_start3A = arith.constant 0 : i32
        %dma_start3A_66 = tpu.memref_slice %arg7[%add3A, %dma_start3A] : memref<5120x64xf32, #tpu.memory_space<vmem_shared>> -> memref<80x64xf32, #tpu.memory_space<vmem_shared>>
        %dma_start3A_67 = arith.constant 0 : i32
        %dma_start3A_68 = tpu.memref_slice %arg7[%add3A, %dma_start3A_67] : memref<5120x64xf32, #tpu.memory_space<vmem_shared>> -> memref<80x64xf32, #tpu.memory_space<vmem_shared>>
        tpu.enqueue_dma source(%dma_start3A_68 : memref<80x64xf32, #tpu.memory_space<vmem_shared>>) target(%arg9 : memref<80x64xf32, #tpu.memory_space<vmem>>) target_semaphore(%run_scoped3A : memref<!tpu.dma_semaphore, #tpu.memory_space<semaphore_mem>>)
        %dma_wait3A = arith.constant 0 : i32
        %dma_wait3A_69 = tpu.memref_slice %arg7[%add3A, %dma_wait3A] : memref<5120x64xf32, #tpu.memory_space<vmem_shared>> -> memref<80x64xf32, #tpu.memory_space<vmem_shared>>
        %dma_wait3A_70 = arith.constant 0 : i32
        %dma_wait3A_71 = tpu.memref_slice %arg7[%add3A, %dma_wait3A_70] : memref<5120x64xf32, #tpu.memory_space<vmem_shared>> -> memref<80x64xf32, #tpu.memory_space<vmem_shared>>
        tpu.wait_dma2 semaphore(%run_scoped3A : memref<!tpu.dma_semaphore, #tpu.memory_space<semaphore_mem>>) src(%dma_wait3A_71 : memref<80x64xf32, #tpu.memory_space<vmem_shared>>) dst(%arg9 : memref<80x64xf32, #tpu.memory_space<vmem>>)
        tpu.yield
      }) : () -> ()
      %scan3A_58 = arith.constant 0 : i32
      %scan3A_59 = arith.constant 0 : i32
      %scan3A_60 = arith.constant 5 : i32
      %scan3A_61 = arith.addi %scan3A_59, %scan3A_60 : i32
      %scan3A_62 = arith.constant 1 : i32
      %scan3A_63 = scf.for %scan3A_66 = %scan3A_59 to %scan3A_61 step %scan3A_62 iter_args(%scan3A_67 = %scan3A_58) -> (i32)  : i32 {
        %mul3A_68 = arith.constant 80 : i32
        %mul3A_69 = arith.muli %scan3A_52, %mul3A_68 : i32
        %mul3A_70 = arith.constant 16 : i32
        %mul3A_71 = arith.muli %scan3A_66, %mul3A_70 : i32
        %add3A_72 = arith.addi %mul3A_69, %mul3A_71 : i32
        %get3A = arith.index_cast %add3A_72 : i32 to index
        %get3A_73 = tpu.vector_load %arg14[%get3A] {strides = array<i32>} : memref<320xf32, #tpu.memory_space<vmem>>, vector<16xf32>,
        %get3A_74 = vector.shape_cast %get3A_73 : vector<16xf32> to vector<16xf32>
        %slice3A = vector.extract_strided_slice %get3A_74 {offsets = [0], sizes = [1], strides = [1]} : vector<16xf32> to vector<1xf32>
        %squeeze3A = vector.extract %slice3A[0] : f32 from vector<1xf32>
        %mul3A_75 = arith.constant 16 : i32
        %mul3A_76 = arith.muli %scan3A_66, %mul3A_75 : i32
        %add3A_77 = arith.constant 0 : i32
        %add3A_78 = arith.addi %mul3A_76, %add3A_77 : i32
        %get3A_79 = arith.index_cast %add3A_78 : i32 to index
        %get3A_80 = arith.constant 0 : index
        %get3A_81 = tpu.vector_load %arg9[%get3A_79, %get3A_80] {strides = array<i32>} : memref<80x64xf32, #tpu.memory_space<vmem>>, vector<1x16xf32>,
        %get3A_82 = vector.shape_cast %get3A_81 : vector<1x16xf32> to vector<16xf32>
        %mul3A_83 = vector.broadcast %squeeze3A : f32 to vector<16xf32>
        %mul3A_84 = arith.mulf %get3A_82, %mul3A_83 : vector<16xf32>
        %swap3A = arith.index_cast %add3A_78 : i32 to index
        %swap3A_85 = arith.constant 0 : index
        %swap3A_86 = tpu.vector_load %arg9[%swap3A, %swap3A_85] {strides = array<i32>} : memref<80x64xf32, #tpu.memory_space<vmem>>, vector<1x16xf32>,
        %swap3A_87 = vector.shape_cast %swap3A_86 : vector<1x16xf32> to vector<16xf32>
        %swap3A_88 = vector.shape_cast %mul3A_84 : vector<16xf32> to vector<1x16xf32>
        tpu.vector_store %arg9[%swap3A, %swap3A_85], %swap3A_88 {strides = array<i32>} : memref<80x64xf32, #tpu.memory_space<vmem>>, vector<1x16xf32>,
        %get3A_89 = arith.index_cast %add3A_78 : i32 to index
        %get3A_90 = arith.constant 16 : index
        %get3A_91 = tpu.vector_load %arg9[%get3A_89, %get3A_90] {strides = array<i32>} : memref<80x64xf32, #tpu.memory_space<vmem>>, vector<1x16xf32>,
        %get3A_92 = vector.shape_cast %get3A_91 : vector<1x16xf32> to vector<16xf32>
        %mul3A_93 = vector.broadcast %squeeze3A : f32 to vector<16xf32>
        %mul3A_94 = arith.mulf %get3A_92, %mul3A_93 : vector<16xf32>
        %swap3A_95 = arith.index_cast %add3A_78 : i32 to index
        %swap3A_96 = arith.constant 16 : index
        %swap3A_97 = tpu.vector_load %arg9[%swap3A_95, %swap3A_96] {strides = array<i32>} : memref<80x64xf32, #tpu.memory_space<vmem>>, vector<1x16xf32>,
        %swap3A_98 = vector.shape_cast %swap3A_97 : vector<1x16xf32> to vector<16xf32>
        %swap3A_99 = vector.shape_cast %mul3A_94 : vector<16xf32> to vector<1x16xf32>
        tpu.vector_store %arg9[%swap3A_95, %swap3A_96], %swap3A_99 {strides = array<i32>} : memref<80x64xf32, #tpu.memory_space<vmem>>, vector<1x16xf32>,
        %get3A_100 = arith.index_cast %add3A_78 : i32 to index
        %get3A_101 = arith.constant 32 : index
        %get3A_102 = tpu.vector_load %arg9[%get3A_100, %get3A_101] {strides = array<i32>} : memref<80x64xf32, #tpu.memory_space<vmem>>, vector<1x16xf32>,
        %get3A_103 = vector.shape_cast %get3A_102 : vector<1x16xf32> to vector<16xf32>
        %mul3A_104 = vector.broadcast %squeeze3A : f32 to vector<16xf32>
        %mul3A_105 = arith.mulf %get3A_103, %mul3A_104 : vector<16xf32>
        %swap3A_106 = arith.index_cast %add3A_78 : i32 to index
        %swap3A_107 = arith.constant 32 : index
        %swap3A_108 = tpu.vector_load %arg9[%swap3A_106, %swap3A_107] {strides = array<i32>} : memref<80x64xf32, #tpu.memory_space<vmem>>, vector<1x16xf32>,
        %swap3A_109 = vector.shape_cast %swap3A_108 : vector<1x16xf32> to vector<16xf32>
        %swap3A_110 = vector.shape_cast %mul3A_105 : vector<16xf32> to vector<1x16xf32>
        tpu.vector_store %arg9[%swap3A_106, %swap3A_107], %swap3A_110 {strides = array<i32>} : memref<80x64xf32, #tpu.memory_space<vmem>>, vector<1x16xf32>,
        %get3A_111 = arith.index_cast %add3A_78 : i32 to index
        %get3A_112 = arith.constant 48 : index
        %get3A_113 = tpu.vector_load %arg9[%get3A_111, %get3A_112] {strides = array<i32>} : memref<80x64xf32, #tpu.memory_space<vmem>>, vector<1x16xf32>,
        %get3A_114 = vector.shape_cast %get3A_113 : vector<1x16xf32> to vector<16xf32>
        %mul3A_115 = vector.broadcast %squeeze3A : f32 to vector<16xf32>
        %mul3A_116 = arith.mulf %get3A_114, %mul3A_115 : vector<16xf32>
        %swap3A_117 = arith.index_cast %add3A_78 : i32 to index
        %swap3A_118 = arith.constant 48 : index
        %swap3A_119 = tpu.vector_load %arg9[%swap3A_117, %swap3A_118] {strides = array<i32>} : memref<80x64xf32, #tpu.memory_space<vmem>>, vector<1x16xf32>,
        %swap3A_120 = vector.shape_cast %swap3A_119 : vector<1x16xf32> to vector<16xf32>
        %swap3A_121 = vector.shape_cast %mul3A_116 : vector<16xf32> to vector<1x16xf32>
        tpu.vector_store %arg9[%swap3A_117, %swap3A_118], %swap3A_121 {strides = array<i32>} : memref<80x64xf32, #tpu.memory_space<vmem>>, vector<1x16xf32>,
        %slice3A_122 = vector.extract_strided_slice %get3A_74 {offsets = [1], sizes = [1], strides = [1]} : vector<16xf32> to vector<1xf32>
        %squeeze3A_123 = vector.extract %slice3A_122[0] : f32 from vector<1xf32>
        %mul3A_124 = arith.constant 16 : i32
        %mul3A_125 = arith.muli %scan3A_66, %mul3A_124 : i32
        %add3A_126 = arith.constant 1 : i32
        %add3A_127 = arith.addi %mul3A_125, %add3A_126 : i32
        %get3A_128 = arith.index_cast %add3A_127 : i32 to index
        %get3A_129 = arith.constant 0 : index
        %get3A_130 = tpu.vector_load %arg9[%get3A_128, %get3A_129] {strides = array<i32>} : memref<80x64xf32, #tpu.memory_space<vmem>>, vector<1x16xf32>,
        %get3A_131 = vector.shape_cast %get3A_130 : vector<1x16xf32> to vector<16xf32>
        %mul3A_132 = vector.broadcast %squeeze3A_123 : f32 to vector<16xf32>
        %mul3A_133 = arith.mulf %get3A_131, %mul3A_132 : vector<16xf32>
        %swap3A_134 = arith.index_cast %add3A_127 : i32 to index
        %swap3A_135 = arith.constant 0 : index
        %swap3A_136 = tpu.vector_load %arg9[%swap3A_134, %swap3A_135] {strides = array<i32>} : memref<80x64xf32, #tpu.memory_space<vmem>>, vector<1x16xf32>,
        %swap3A_137 = vector.shape_cast %swap3A_136 : vector<1x16xf32> to vector<16xf32>
        %swap3A_138 = vector.shape_cast %mul3A_133 : vector<16xf32> to vector<1x16xf32>
        tpu.vector_store %arg9[%swap3A_134, %swap3A_135], %swap3A_138 {strides = array<i32>} : memref<80x64xf32, #tpu.memory_space<vmem>>, vector<1x16xf32>,
        %get3A_139 = arith.index_cast %add3A_127 : i32 to index
        %get3A_140 = arith.constant 16 : index
        %get3A_141 = tpu.vector_load %arg9[%get3A_139, %get3A_140] {strides = array<i32>} : memref<80x64xf32, #tpu.memory_space<vmem>>, vector<1x16xf32>,
        %get3A_142 = vector.shape_cast %get3A_141 : vector<1x16xf32> to vector<16xf32>
        %mul3A_143 = vector.broadcast %squeeze3A_123 : f32 to vector<16xf32>
        %mul3A_144 = arith.mulf %get3A_142, %mul3A_143 : vector<16xf32>
        %swap3A_145 = arith.index_cast %add3A_127 : i32 to index
        %swap3A_146 = arith.constant 16 : index
        %swap3A_147 = tpu.vector_load %arg9[%swap3A_145, %swap3A_146] {strides = array<i32>} : memref<80x64xf32, #tpu.memory_space<vmem>>, vector<1x16xf32>,
        %swap3A_148 = vector.shape_cast %swap3A_147 : vector<1x16xf32> to vector<16xf32>
        %swap3A_149 = vector.shape_cast %mul3A_144 : vector<16xf32> to vector<1x16xf32>
        tpu.vector_store %arg9[%swap3A_145, %swap3A_146], %swap3A_149 {strides = array<i32>} : memref<80x64xf32, #tpu.memory_space<vmem>>, vector<1x16xf32>,
        %get3A_150 = arith.index_cast %add3A_127 : i32 to index
        %get3A_151 = arith.constant 32 : index
        %get3A_152 = tpu.vector_load %arg9[%get3A_150, %get3A_151] {strides = array<i32>} : memref<80x64xf32, #tpu.memory_space<vmem>>, vector<1x16xf32>,
        %get3A_153 = vector.shape_cast %get3A_152 : vector<1x16xf32> to vector<16xf32>
        %mul3A_154 = vector.broadcast %squeeze3A_123 : f32 to vector<16xf32>
        %mul3A_155 = arith.mulf %get3A_153, %mul3A_154 : vector<16xf32>
        %swap3A_156 = arith.index_cast %add3A_127 : i32 to index
        %swap3A_157 = arith.constant 32 : index
        %swap3A_158 = tpu.vector_load %arg9[%swap3A_156, %swap3A_157] {strides = array<i32>} : memref<80x64xf32, #tpu.memory_space<vmem>>, vector<1x16xf32>,
        %swap3A_159 = vector.shape_cast %swap3A_158 : vector<1x16xf32> to vector<16xf32>
        %swap3A_160 = vector.shape_cast %mul3A_155 : vector<16xf32> to vector<1x16xf32>
        tpu.vector_store %arg9[%swap3A_156, %swap3A_157], %swap3A_160 {strides = array<i32>} : memref<80x64xf32, #tpu.memory_space<vmem>>, vector<1x16xf32>,
        %get3A_161 = arith.index_cast %add3A_127 : i32 to index
        %get3A_162 = arith.constant 48 : index
        %get3A_163 = tpu.vector_load %arg9[%get3A_161, %get3A_162] {strides = array<i32>} : memref<80x64xf32, #tpu.memory_space<vmem>>, vector<1x16xf32>,
        %get3A_164 = vector.shape_cast %get3A_163 : vector<1x16xf32> to vector<16xf32>
        %mul3A_165 = vector.broadcast %squeeze3A_123 : f32 to vector<16xf32>
        %mul3A_166 = arith.mulf %get3A_164, %mul3A_165 : vector<16xf32>
        %swap3A_167 = arith.index_cast %add3A_127 : i32 to index
        %swap3A_168 = arith.constant 48 : index
        %swap3A_169 = tpu.vector_load %arg9[%swap3A_167, %swap3A_168] {strides = array<i32>} : memref<80x64xf32, #tpu.memory_space<vmem>>, vector<1x16xf32>,
        %swap3A_170 = vector.shape_cast %swap3A_169 : vector<1x16xf32> to vector<16xf32>
        %swap3A_171 = vector.shape_cast %mul3A_166 : vector<16xf32> to vector<1x16xf32>
        tpu.vector_store %arg9[%swap3A_167, %swap3A_168], %swap3A_171 {strides = array<i32>} : memref<80x64xf32, #tpu.memory_space<vmem>>, vector<1x16xf32>,
        %slice3A_172 = vector.extract_strided_slice %get3A_74 {offsets = [2], sizes = [1], strides = [1]} : vector<16xf32> to vector<1xf32>
        %squeeze3A_173 = vector.extract %slice3A_172[0] : f32 from vector<1xf32>
        %mul3A_174 = arith.constant 16 : i32
        %mul3A_175 = arith.muli %scan3A_66, %mul3A_174 : i32
        %add3A_176 = arith.constant 2 : i32
        %add3A_177 = arith.addi %mul3A_175, %add3A_176 : i32
        %get3A_178 = arith.index_cast %add3A_177 : i32 to index
        %get3A_179 = arith.constant 0 : index
        %get3A_180 = tpu.vector_load %arg9[%get3A_178, %get3A_179] {strides = array<i32>} : memref<80x64xf32, #tpu.memory_space<vmem>>, vector<1x16xf32>,
        %get3A_181 = vector.shape_cast %get3A_180 : vector<1x16xf32> to vector<16xf32>
        %mul3A_182 = vector.broadcast %squeeze3A_173 : f32 to vector<16xf32>
        %mul3A_183 = arith.mulf %get3A_181, %mul3A_182 : vector<16xf32>
        %swap3A_184 = arith.index_cast %add3A_177 : i32 to index
        %swap3A_185 = arith.constant 0 : index
        %swap3A_186 = tpu.vector_load %arg9[%swap3A_184, %swap3A_185] {strides = array<i32>} : memref<80x64xf32, #tpu.memory_space<vmem>>, vector<1x16xf32>,
        %swap3A_187 = vector.shape_cast %swap3A_186 : vector<1x16xf32> to vector<16xf32>
        %swap3A_188 = vector.shape_cast %mul3A_183 : vector<16xf32> to vector<1x16xf32>
        tpu.vector_store %arg9[%swap3A_184, %swap3A_185], %swap3A_188 {strides = array<i32>} : memref<80x64xf32, #tpu.memory_space<vmem>>, vector<1x16xf32>,
        %get3A_189 = arith.index_cast %add3A_177 : i32 to index
        %get3A_190 = arith.constant 16 : index
        %get3A_191 = tpu.vector_load %arg9[%get3A_189, %get3A_190] {strides = array<i32>} : memref<80x64xf32, #tpu.memory_space<vmem>>, vector<1x16xf32>,
        %get3A_192 = vector.shape_cast %get3A_191 : vector<1x16xf32> to vector<16xf32>
        %mul3A_193 = vector.broadcast %squeeze3A_173 : f32 to vector<16xf32>
        %mul3A_194 = arith.mulf %get3A_192, %mul3A_193 : vector<16xf32>
        %swap3A_195 = arith.index_cast %add3A_177 : i32 to index
        %swap3A_196 = arith.constant 16 : index
        %swap3A_197 = tpu.vector_load %arg9[%swap3A_195, %swap3A_196] {strides = array<i32>} : memref<80x64xf32, #tpu.memory_space<vmem>>, vector<1x16xf32>,
        %swap3A_198 = vector.shape_cast %swap3A_197 : vector<1x16xf32> to vector<16xf32>
        %swap3A_199 = vector.shape_cast %mul3A_194 : vector<16xf32> to vector<1x16xf32>
        tpu.vector_store %arg9[%swap3A_195, %swap3A_196], %swap3A_199 {strides = array<i32>} : memref<80x64xf32, #tpu.memory_space<vmem>>, vector<1x16xf32>,
        %get3A_200 = arith.index_cast %add3A_177 : i32 to index
        %get3A_201 = arith.constant 32 : index
        %get3A_202 = tpu.vector_load %arg9[%get3A_200, %get3A_201] {strides = array<i32>} : memref<80x64xf32, #tpu.memory_space<vmem>>, vector<1x16xf32>,
        %get3A_203 = vector.shape_cast %get3A_202 : vector<1x16xf32> to vector<16xf32>
        %mul3A_204 = vector.broadcast %squeeze3A_173 : f32 to vector<16xf32>
        %mul3A_205 = arith.mulf %get3A_203, %mul3A_204 : vector<16xf32>
        %swap3A_206 = arith.index_cast %add3A_177 : i32 to index
        %swap3A_207 = arith.constant 32 : index
        %swap3A_208 = tpu.vector_load %arg9[%swap3A_206, %swap3A_207] {strides = array<i32>} : memref<80x64xf32, #tpu.memory_space<vmem>>, vector<1x16xf32>,
        %swap3A_209 = vector.shape_cast %swap3A_208 : vector<1x16xf32> to vector<16xf32>
        %swap3A_210 = vector.shape_cast %mul3A_205 : vector<16xf32> to vector<1x16xf32>
        tpu.vector_store %arg9[%swap3A_206, %swap3A_207], %swap3A_210 {strides = array<i32>} : memref<80x64xf32, #tpu.memory_space<vmem>>, vector<1x16xf32>,
        %get3A_211 = arith.index_cast %add3A_177 : i32 to index
        %get3A_212 = arith.constant 48 : index
        %get3A_213 = tpu.vector_load %arg9[%get3A_211, %get3A_212] {strides = array<i32>} : memref<80x64xf32, #tpu.memory_space<vmem>>, vector<1x16xf32>,
        %get3A_214 = vector.shape_cast %get3A_213 : vector<1x16xf32> to vector<16xf32>
        %mul3A_215 = vector.broadcast %squeeze3A_173 : f32 to vector<16xf32>
        %mul3A_216 = arith.mulf %get3A_214, %mul3A_215 : vector<16xf32>
        %swap3A_217 = arith.index_cast %add3A_177 : i32 to index
        %swap3A_218 = arith.constant 48 : index
        %swap3A_219 = tpu.vector_load %arg9[%swap3A_217, %swap3A_218] {strides = array<i32>} : memref<80x64xf32, #tpu.memory_space<vmem>>, vector<1x16xf32>,
        %swap3A_220 = vector.shape_cast %swap3A_219 : vector<1x16xf32> to vector<16xf32>
        %swap3A_221 = vector.shape_cast %mul3A_216 : vector<16xf32> to vector<1x16xf32>
        tpu.vector_store %arg9[%swap3A_217, %swap3A_218], %swap3A_221 {strides = array<i32>} : memref<80x64xf32, #tpu.memory_space<vmem>>, vector<1x16xf32>,
        %slice3A_222 = vector.extract_strided_slice %get3A_74 {offsets = [3], sizes = [1], strides = [1]} : vector<16xf32> to vector<1xf32>
        %squeeze3A_223 = vector.extract %slice3A_222[0] : f32 from vector<1xf32>
        %mul3A_224 = arith.constant 16 : i32
        %mul3A_225 = arith.muli %scan3A_66, %mul3A_224 : i32
        %add3A_226 = arith.constant 3 : i32
        %add3A_227 = arith.addi %mul3A_225, %add3A_226 : i32
        %get3A_228 = arith.index_cast %add3A_227 : i32 to index
        %get3A_229 = arith.constant 0 : index
        %get3A_230 = tpu.vector_load %arg9[%get3A_228, %get3A_229] {strides = array<i32>} : memref<80x64xf32, #tpu.memory_space<vmem>>, vector<1x16xf32>,
        %get3A_231 = vector.shape_cast %get3A_230 : vector<1x16xf32> to vector<16xf32>
        %mul3A_232 = vector.broadcast %squeeze3A_223 : f32 to vector<16xf32>
        %mul3A_233 = arith.mulf %get3A_231, %mul3A_232 : vector<16xf32>
        %swap3A_234 = arith.index_cast %add3A_227 : i32 to index
        %swap3A_235 = arith.constant 0 : index
        %swap3A_236 = tpu.vector_load %arg9[%swap3A_234, %swap3A_235] {strides = array<i32>} : memref<80x64xf32, #tpu.memory_space<vmem>>, vector<1x16xf32>,
        %swap3A_237 = vector.shape_cast %swap3A_236 : vector<1x16xf32> to vector<16xf32>
        %swap3A_238 = vector.shape_cast %mul3A_233 : vector<16xf32> to vector<1x16xf32>
        tpu.vector_store %arg9[%swap3A_234, %swap3A_235], %swap3A_238 {strides = array<i32>} : memref<80x64xf32, #tpu.memory_space<vmem>>, vector<1x16xf32>,
        %get3A_239 = arith.index_cast %add3A_227 : i32 to index
        %get3A_240 = arith.constant 16 : index
        %get3A_241 = tpu.vector_load %arg9[%get3A_239, %get3A_240] {strides = array<i32>} : memref<80x64xf32, #tpu.memory_space<vmem>>, vector<1x16xf32>,
        %get3A_242 = vector.shape_cast %get3A_241 : vector<1x16xf32> to vector<16xf32>
        %mul3A_243 = vector.broadcast %squeeze3A_223 : f32 to vector<16xf32>
        %mul3A_244 = arith.mulf %get3A_242, %mul3A_243 : vector<16xf32>
        %swap3A_245 = arith.index_cast %add3A_227 : i32 to index
        %swap3A_246 = arith.constant 16 : index
        %swap3A_247 = tpu.vector_load %arg9[%swap3A_245, %swap3A_246] {strides = array<i32>} : memref<80x64xf32, #tpu.memory_space<vmem>>, vector<1x16xf32>,
        %swap3A_248 = vector.shape_cast %swap3A_247 : vector<1x16xf32> to vector<16xf32>
        %swap3A_249 = vector.shape_cast %mul3A_244 : vector<16xf32> to vector<1x16xf32>
        tpu.vector_store %arg9[%swap3A_245, %swap3A_246], %swap3A_249 {strides = array<i32>} : memref<80x64xf32, #tpu.memory_space<vmem>>, vector<1x16xf32>,
        %get3A_250 = arith.index_cast %add3A_227 : i32 to index
        %get3A_251 = arith.constant 32 : index
        %get3A_252 = tpu.vector_load %arg9[%get3A_250, %get3A_251] {strides = array<i32>} : memref<80x64xf32, #tpu.memory_space<vmem>>, vector<1x16xf32>,
        %get3A_253 = vector.shape_cast %get3A_252 : vector<1x16xf32> to vector<16xf32>
        %mul3A_254 = vector.broadcast %squeeze3A_223 : f32 to vector<16xf32>
        %mul3A_255 = arith.mulf %get3A_253, %mul3A_254 : vector<16xf32>
        %swap3A_256 = arith.index_cast %add3A_227 : i32 to index
        %swap3A_257 = arith.constant 32 : index
        %swap3A_258 = tpu.vector_load %arg9[%swap3A_256, %swap3A_257] {strides = array<i32>} : memref<80x64xf32, #tpu.memory_space<vmem>>, vector<1x16xf32>,
        %swap3A_259 = vector.shape_cast %swap3A_258 : vector<1x16xf32> to vector<16xf32>
        %swap3A_260 = vector.shape_cast %mul3A_255 : vector<16xf32> to vector<1x16xf32>
        tpu.vector_store %arg9[%swap3A_256, %swap3A_257], %swap3A_260 {strides = array<i32>} : memref<80x64xf32, #tpu.memory_space<vmem>>, vector<1x16xf32>,
        %get3A_261 = arith.index_cast %add3A_227 : i32 to index
        %get3A_262 = arith.constant 48 : index
        %get3A_263 = tpu.vector_load %arg9[%get3A_261, %get3A_262] {strides = array<i32>} : memref<80x64xf32, #tpu.memory_space<vmem>>, vector<1x16xf32>,
        %get3A_264 = vector.shape_cast %get3A_263 : vector<1x16xf32> to vector<16xf32>
        %mul3A_265 = vector.broadcast %squeeze3A_223 : f32 to vector<16xf32>
        %mul3A_266 = arith.mulf %get3A_264, %mul3A_265 : vector<16xf32>
        %swap3A_267 = arith.index_cast %add3A_227 : i32 to index
        %swap3A_268 = arith.constant 48 : index
        %swap3A_269 = tpu.vector_load %arg9[%swap3A_267, %swap3A_268] {strides = array<i32>} : memref<80x64xf32, #tpu.memory_space<vmem>>, vector<1x16xf32>,
        %swap3A_270 = vector.shape_cast %swap3A_269 : vector<1x16xf32> to vector<16xf32>
        %swap3A_271 = vector.shape_cast %mul3A_266 : vector<16xf32> to vector<1x16xf32>
        tpu.vector_store %arg9[%swap3A_267, %swap3A_268], %swap3A_271 {strides = array<i32>} : memref<80x64xf32, #tpu.memory_space<vmem>>, vector<1x16xf32>,
        %slice3A_272 = vector.extract_strided_slice %get3A_74 {offsets = [4], sizes = [1], strides = [1]} : vector<16xf32> to vector<1xf32>
        %squeeze3A_273 = vector.extract %slice3A_272[0] : f32 from vector<1xf32>
        %mul3A_274 = arith.constant 16 : i32
        %mul3A_275 = arith.muli %scan3A_66, %mul3A_274 : i32
        %add3A_276 = arith.constant 4 : i32
        %add3A_277 = arith.addi %mul3A_275, %add3A_276 : i32
        %get3A_278 = arith.index_cast %add3A_277 : i32 to index
        %get3A_279 = arith.constant 0 : index
        %get3A_280 = tpu.vector_load %arg9[%get3A_278, %get3A_279] {strides = array<i32>} : memref<80x64xf32, #tpu.memory_space<vmem>>, vector<1x16xf32>,
        %get3A_281 = vector.shape_cast %get3A_280 : vector<1x16xf32> to vector<16xf32>
        %mul3A_282 = vector.broadcast %squeeze3A_273 : f32 to vector<16xf32>
        %mul3A_283 = arith.mulf %get3A_281, %mul3A_282 : vector<16xf32>
        %swap3A_284 = arith.index_cast %add3A_277 : i32 to index
        %swap3A_285 = arith.constant 0 : index
        %swap3A_286 = tpu.vector_load %arg9[%swap3A_284, %swap3A_285] {strides = array<i32>} : memref<80x64xf32, #tpu.memory_space<vmem>>, vector<1x16xf32>,
        %swap3A_287 = vector.shape_cast %swap3A_286 : vector<1x16xf32> to vector<16xf32>
        %swap3A_288 = vector.shape_cast %mul3A_283 : vector<16xf32> to vector<1x16xf32>
        tpu.vector_store %arg9[%swap3A_284, %swap3A_285], %swap3A_288 {strides = array<i32>} : memref<80x64xf32, #tpu.memory_space<vmem>>, vector<1x16xf32>,
        %get3A_289 = arith.index_cast %add3A_277 : i32 to index
        %get3A_290 = arith.constant 16 : index
        %get3A_291 = tpu.vector_load %arg9[%get3A_289, %get3A_290] {strides = array<i32>} : memref<80x64xf32, #tpu.memory_space<vmem>>, vector<1x16xf32>,
        %get3A_292 = vector.shape_cast %get3A_291 : vector<1x16xf32> to vector<16xf32>
        %mul3A_293 = vector.broadcast %squeeze3A_273 : f32 to vector<16xf32>
        %mul3A_294 = arith.mulf %get3A_292, %mul3A_293 : vector<16xf32>
        %swap3A_295 = arith.index_cast %add3A_277 : i32 to index
        %swap3A_296 = arith.constant 16 : index
        %swap3A_297 = tpu.vector_load %arg9[%swap3A_295, %swap3A_296] {strides = array<i32>} : memref<80x64xf32, #tpu.memory_space<vmem>>, vector<1x16xf32>,
        %swap3A_298 = vector.shape_cast %swap3A_297 : vector<1x16xf32> to vector<16xf32>
        %swap3A_299 = vector.shape_cast %mul3A_294 : vector<16xf32> to vector<1x16xf32>
        tpu.vector_store %arg9[%swap3A_295, %swap3A_296], %swap3A_299 {strides = array<i32>} : memref<80x64xf32, #tpu.memory_space<vmem>>, vector<1x16xf32>,
        %get3A_300 = arith.index_cast %add3A_277 : i32 to index
        %get3A_301 = arith.constant 32 : index
        %get3A_302 = tpu.vector_load %arg9[%get3A_300, %get3A_301] {strides = array<i32>} : memref<80x64xf32, #tpu.memory_space<vmem>>, vector<1x16xf32>,
        %get3A_303 = vector.shape_cast %get3A_302 : vector<1x16xf32> to vector<16xf32>
        %mul3A_304 = vector.broadcast %squeeze3A_273 : f32 to vector<16xf32>
        %mul3A_305 = arith.mulf %get3A_303, %mul3A_304 : vector<16xf32>
        %swap3A_306 = arith.index_cast %add3A_277 : i32 to index
        %swap3A_307 = arith.constant 32 : index
        %swap3A_308 = tpu.vector_load %arg9[%swap3A_306, %swap3A_307] {strides = array<i32>} : memref<80x64xf32, #tpu.memory_space<vmem>>, vector<1x16xf32>,
        %swap3A_309 = vector.shape_cast %swap3A_308 : vector<1x16xf32> to vector<16xf32>
        %swap3A_310 = vector.shape_cast %mul3A_305 : vector<16xf32> to vector<1x16xf32>
        tpu.vector_store %arg9[%swap3A_306, %swap3A_307], %swap3A_310 {strides = array<i32>} : memref<80x64xf32, #tpu.memory_space<vmem>>, vector<1x16xf32>,
        %get3A_311 = arith.index_cast %add3A_277 : i32 to index
        %get3A_312 = arith.constant 48 : index
        %get3A_313 = tpu.vector_load %arg9[%get3A_311, %get3A_312] {strides = array<i32>} : memref<80x64xf32, #tpu.memory_space<vmem>>, vector<1x16xf32>,
        %get3A_314 = vector.shape_cast %get3A_313 : vector<1x16xf32> to vector<16xf32>
        %mul3A_315 = vector.broadcast %squeeze3A_273 : f32 to vector<16xf32>
        %mul3A_316 = arith.mulf %get3A_314, %mul3A_315 : vector<16xf32>
        %swap3A_317 = arith.index_cast %add3A_277 : i32 to index
        %swap3A_318 = arith.constant 48 : index
        %swap3A_319 = tpu.vector_load %arg9[%swap3A_317, %swap3A_318] {strides = array<i32>} : memref<80x64xf32, #tpu.memory_space<vmem>>, vector<1x16xf32>,
        %swap3A_320 = vector.shape_cast %swap3A_319 : vector<1x16xf32> to vector<16xf32>
        %swap3A_321 = vector.shape_cast %mul3A_316 : vector<16xf32> to vector<1x16xf32>
        tpu.vector_store %arg9[%swap3A_317, %swap3A_318], %swap3A_321 {strides = array<i32>} : memref<80x64xf32, #tpu.memory_space<vmem>>, vector<1x16xf32>,
        %slice3A_322 = vector.extract_strided_slice %get3A_74 {offsets = [5], sizes = [1], strides = [1]} : vector<16xf32> to vector<1xf32>
        %squeeze3A_323 = vector.extract %slice3A_322[0] : f32 from vector<1xf32>
        %mul3A_324 = arith.constant 16 : i32
        %mul3A_325 = arith.muli %scan3A_66, %mul3A_324 : i32
        %add3A_326 = arith.constant 5 : i32
        %add3A_327 = arith.addi %mul3A_325, %add3A_326 : i32
        %get3A_328 = arith.index_cast %add3A_327 : i32 to index
        %get3A_329 = arith.constant 0 : index
        %get3A_330 = tpu.vector_load %arg9[%get3A_328, %get3A_329] {strides = array<i32>} : memref<80x64xf32, #tpu.memory_space<vmem>>, vector<1x16xf32>,
        %get3A_331 = vector.shape_cast %get3A_330 : vector<1x16xf32> to vector<16xf32>
        %mul3A_332 = vector.broadcast %squeeze3A_323 : f32 to vector<16xf32>
        %mul3A_333 = arith.mulf %get3A_331, %mul3A_332 : vector<16xf32>
        %swap3A_334 = arith.index_cast %add3A_327 : i32 to index
        %swap3A_335 = arith.constant 0 : index
        %swap3A_336 = tpu.vector_load %arg9[%swap3A_334, %swap3A_335] {strides = array<i32>} : memref<80x64xf32, #tpu.memory_space<vmem>>, vector<1x16xf32>,
        %swap3A_337 = vector.shape_cast %swap3A_336 : vector<1x16xf32> to vector<16xf32>
        %swap3A_338 = vector.shape_cast %mul3A_333 : vector<16xf32> to vector<1x16xf32>
        tpu.vector_store %arg9[%swap3A_334, %swap3A_335], %swap3A_338 {strides = array<i32>} : memref<80x64xf32, #tpu.memory_space<vmem>>, vector<1x16xf32>,
        %get3A_339 = arith.index_cast %add3A_327 : i32 to index
        %get3A_340 = arith.constant 16 : index
        %get3A_341 = tpu.vector_load %arg9[%get3A_339, %get3A_340] {strides = array<i32>} : memref<80x64xf32, #tpu.memory_space<vmem>>, vector<1x16xf32>,
        %get3A_342 = vector.shape_cast %get3A_341 : vector<1x16xf32> to vector<16xf32>
        %mul3A_343 = vector.broadcast %squeeze3A_323 : f32 to vector<16xf32>
        %mul3A_344 = arith.mulf %get3A_342, %mul3A_343 : vector<16xf32>
        %swap3A_345 = arith.index_cast %add3A_327 : i32 to index
        %swap3A_346 = arith.constant 16 : index
        %swap3A_347 = tpu.vector_load %arg9[%swap3A_345, %swap3A_346] {strides = array<i32>} : memref<80x64xf32, #tpu.memory_space<vmem>>, vector<1x16xf32>,
        %swap3A_348 = vector.shape_cast %swap3A_347 : vector<1x16xf32> to vector<16xf32>
        %swap3A_349 = vector.shape_cast %mul3A_344 : vector<16xf32> to vector<1x16xf32>
        tpu.vector_store %arg9[%swap3A_345, %swap3A_346], %swap3A_349 {strides = array<i32>} : memref<80x64xf32, #tpu.memory_space<vmem>>, vector<1x16xf32>,
        %get3A_350 = arith.index_cast %add3A_327 : i32 to index
        %get3A_351 = arith.constant 32 : index
        %get3A_352 = tpu.vector_load %arg9[%get3A_350, %get3A_351] {strides = array<i32>} : memref<80x64xf32, #tpu.memory_space<vmem>>, vector<1x16xf32>,
        %get3A_353 = vector.shape_cast %get3A_352 : vector<1x16xf32> to vector<16xf32>
        %mul3A_354 = vector.broadcast %squeeze3A_323 : f32 to vector<16xf32>
        %mul3A_355 = arith.mulf %get3A_353, %mul3A_354 : vector<16xf32>
        %swap3A_356 = arith.index_cast %add3A_327 : i32 to index
        %swap3A_357 = arith.constant 32 : index
        %swap3A_358 = tpu.vector_load %arg9[%swap3A_356, %swap3A_357] {strides = array<i32>} : memref<80x64xf32, #tpu.memory_space<vmem>>, vector<1x16xf32>,
        %swap3A_359 = vector.shape_cast %swap3A_358 : vector<1x16xf32> to vector<16xf32>
        %swap3A_360 = vector.shape_cast %mul3A_355 : vector<16xf32> to vector<1x16xf32>
        tpu.vector_store %arg9[%swap3A_356, %swap3A_357], %swap3A_360 {strides = array<i32>} : memref<80x64xf32, #tpu.memory_space<vmem>>, vector<1x16xf32>,
        %get3A_361 = arith.index_cast %add3A_327 : i32 to index
        %get3A_362 = arith.constant 48 : index
        %get3A_363 = tpu.vector_load %arg9[%get3A_361, %get3A_362] {strides = array<i32>} : memref<80x64xf32, #tpu.memory_space<vmem>>, vector<1x16xf32>,
        %get3A_364 = vector.shape_cast %get3A_363 : vector<1x16xf32> to vector<16xf32>
        %mul3A_365 = vector.broadcast %squeeze3A_323 : f32 to vector<16xf32>
        %mul3A_366 = arith.mulf %get3A_364, %mul3A_365 : vector<16xf32>
        %swap3A_367 = arith.index_cast %add3A_327 : i32 to index
        %swap3A_368 = arith.constant 48 : index
        %swap3A_369 = tpu.vector_load %arg9[%swap3A_367, %swap3A_368] {strides = array<i32>} : memref<80x64xf32, #tpu.memory_space<vmem>>, vector<1x16xf32>,
        %swap3A_370 = vector.shape_cast %swap3A_369 : vector<1x16xf32> to vector<16xf32>
        %swap3A_371 = vector.shape_cast %mul3A_366 : vector<16xf32> to vector<1x16xf32>
        tpu.vector_store %arg9[%swap3A_367, %swap3A_368], %swap3A_371 {strides = array<i32>} : memref<80x64xf32, #tpu.memory_space<vmem>>, vector<1x16xf32>,
        %slice3A_372 = vector.extract_strided_slice %get3A_74 {offsets = [6], sizes = [1], strides = [1]} : vector<16xf32> to vector<1xf32>
        %squeeze3A_373 = vector.extract %slice3A_372[0] : f32 from vector<1xf32>
        %mul3A_374 = arith.constant 16 : i32
        %mul3A_375 = arith.muli %scan3A_66, %mul3A_374 : i32
        %add3A_376 = arith.constant 6 : i32
        %add3A_377 = arith.addi %mul3A_375, %add3A_376 : i32
        %get3A_378 = arith.index_cast %add3A_377 : i32 to index
        %get3A_379 = arith.constant 0 : index
        %get3A_380 = tpu.vector_load %arg9[%get3A_378, %get3A_379] {strides = array<i32>} : memref<80x64xf32, #tpu.memory_space<vmem>>, vector<1x16xf32>,
        %get3A_381 = vector.shape_cast %get3A_380 : vector<1x16xf32> to vector<16xf32>
        %mul3A_382 = vector.broadcast %squeeze3A_373 : f32 to vector<16xf32>
        %mul3A_383 = arith.mulf %get3A_381, %mul3A_382 : vector<16xf32>
        %swap3A_384 = arith.index_cast %add3A_377 : i32 to index
        %swap3A_385 = arith.constant 0 : index
        %swap3A_386 = tpu.vector_load %arg9[%swap3A_384, %swap3A_385] {strides = array<i32>} : memref<80x64xf32, #tpu.memory_space<vmem>>, vector<1x16xf32>,
        %swap3A_387 = vector.shape_cast %swap3A_386 : vector<1x16xf32> to vector<16xf32>
        %swap3A_388 = vector.shape_cast %mul3A_383 : vector<16xf32> to vector<1x16xf32>
        tpu.vector_store %arg9[%swap3A_384, %swap3A_385], %swap3A_388 {strides = array<i32>} : memref<80x64xf32, #tpu.memory_space<vmem>>, vector<1x16xf32>,
        %get3A_389 = arith.index_cast %add3A_377 : i32 to index
        %get3A_390 = arith.constant 16 : index
        %get3A_391 = tpu.vector_load %arg9[%get3A_389, %get3A_390] {strides = array<i32>} : memref<80x64xf32, #tpu.memory_space<vmem>>, vector<1x16xf32>,
        %get3A_392 = vector.shape_cast %get3A_391 : vector<1x16xf32> to vector<16xf32>
        %mul3A_393 = vector.broadcast %squeeze3A_373 : f32 to vector<16xf32>
        %mul3A_394 = arith.mulf %get3A_392, %mul3A_393 : vector<16xf32>
        %swap3A_395 = arith.index_cast %add3A_377 : i32 to index
        %swap3A_396 = arith.constant 16 : index
        %swap3A_397 = tpu.vector_load %arg9[%swap3A_395, %swap3A_396] {strides = array<i32>} : memref<80x64xf32, #tpu.memory_space<vmem>>, vector<1x16xf32>,
        %swap3A_398 = vector.shape_cast %swap3A_397 : vector<1x16xf32> to vector<16xf32>
        %swap3A_399 = vector.shape_cast %mul3A_394 : vector<16xf32> to vector<1x16xf32>
        tpu.vector_store %arg9[%swap3A_395, %swap3A_396], %swap3A_399 {strides = array<i32>} : memref<80x64xf32, #tpu.memory_space<vmem>>, vector<1x16xf32>,
        %get3A_400 = arith.index_cast %add3A_377 : i32 to index
        %get3A_401 = arith.constant 32 : index
        %get3A_402 = tpu.vector_load %arg9[%get3A_400, %get3A_401] {strides = array<i32>} : memref<80x64xf32, #tpu.memory_space<vmem>>, vector<1x16xf32>,
        %get3A_403 = vector.shape_cast %get3A_402 : vector<1x16xf32> to vector<16xf32>
        %mul3A_404 = vector.broadcast %squeeze3A_373 : f32 to vector<16xf32>
        %mul3A_405 = arith.mulf %get3A_403, %mul3A_404 : vector<16xf32>
        %swap3A_406 = arith.index_cast %add3A_377 : i32 to index
        %swap3A_407 = arith.constant 32 : index
        %swap3A_408 = tpu.vector_load %arg9[%swap3A_406, %swap3A_407] {strides = array<i32>} : memref<80x64xf32, #tpu.memory_space<vmem>>, vector<1x16xf32>,
        %swap3A_409 = vector.shape_cast %swap3A_408 : vector<1x16xf32> to vector<16xf32>
        %swap3A_410 = vector.shape_cast %mul3A_405 : vector<16xf32> to vector<1x16xf32>
        tpu.vector_store %arg9[%swap3A_406, %swap3A_407], %swap3A_410 {strides = array<i32>} : memref<80x64xf32, #tpu.memory_space<vmem>>, vector<1x16xf32>,
        %get3A_411 = arith.index_cast %add3A_377 : i32 to index
        %get3A_412 = arith.constant 48 : index
        %get3A_413 = tpu.vector_load %arg9[%get3A_411, %get3A_412] {strides = array<i32>} : memref<80x64xf32, #tpu.memory_space<vmem>>, vector<1x16xf32>,
        %get3A_414 = vector.shape_cast %get3A_413 : vector<1x16xf32> to vector<16xf32>
        %mul3A_415 = vector.broadcast %squeeze3A_373 : f32 to vector<16xf32>
        %mul3A_416 = arith.mulf %get3A_414, %mul3A_415 : vector<16xf32>
        %swap3A_417 = arith.index_cast %add3A_377 : i32 to index
        %swap3A_418 = arith.constant 48 : index
        %swap3A_419 = tpu.vector_load %arg9[%swap3A_417, %swap3A_418] {strides = array<i32>} : memref<80x64xf32, #tpu.memory_space<vmem>>, vector<1x16xf32>,
        %swap3A_420 = vector.shape_cast %swap3A_419 : vector<1x16xf32> to vector<16xf32>
        %swap3A_421 = vector.shape_cast %mul3A_416 : vector<16xf32> to vector<1x16xf32>
        tpu.vector_store %arg9[%swap3A_417, %swap3A_418], %swap3A_421 {strides = array<i32>} : memref<80x64xf32, #tpu.memory_space<vmem>>, vector<1x16xf32>,
        %slice3A_422 = vector.extract_strided_slice %get3A_74 {offsets = [7], sizes = [1], strides = [1]} : vector<16xf32> to vector<1xf32>
        %squeeze3A_423 = vector.extract %slice3A_422[0] : f32 from vector<1xf32>
        %mul3A_424 = arith.constant 16 : i32
        %mul3A_425 = arith.muli %scan3A_66, %mul3A_424 : i32
        %add3A_426 = arith.constant 7 : i32
        %add3A_427 = arith.addi %mul3A_425, %add3A_426 : i32
        %get3A_428 = arith.index_cast %add3A_427 : i32 to index
        %get3A_429 = arith.constant 0 : index
        %get3A_430 = tpu.vector_load %arg9[%get3A_428, %get3A_429] {strides = array<i32>} : memref<80x64xf32, #tpu.memory_space<vmem>>, vector<1x16xf32>,
        %get3A_431 = vector.shape_cast %get3A_430 : vector<1x16xf32> to vector<16xf32>
        %mul3A_432 = vector.broadcast %squeeze3A_423 : f32 to vector<16xf32>
        %mul3A_433 = arith.mulf %get3A_431, %mul3A_432 : vector<16xf32>
        %swap3A_434 = arith.index_cast %add3A_427 : i32 to index
        %swap3A_435 = arith.constant 0 : index
        %swap3A_436 = tpu.vector_load %arg9[%swap3A_434, %swap3A_435] {strides = array<i32>} : memref<80x64xf32, #tpu.memory_space<vmem>>, vector<1x16xf32>,
        %swap3A_437 = vector.shape_cast %swap3A_436 : vector<1x16xf32> to vector<16xf32>
        %swap3A_438 = vector.shape_cast %mul3A_433 : vector<16xf32> to vector<1x16xf32>
        tpu.vector_store %arg9[%swap3A_434, %swap3A_435], %swap3A_438 {strides = array<i32>} : memref<80x64xf32, #tpu.memory_space<vmem>>, vector<1x16xf32>,
        %get3A_439 = arith.index_cast %add3A_427 : i32 to index
        %get3A_440 = arith.constant 16 : index
        %get3A_441 = tpu.vector_load %arg9[%get3A_439, %get3A_440] {strides = array<i32>} : memref<80x64xf32, #tpu.memory_space<vmem>>, vector<1x16xf32>,
        %get3A_442 = vector.shape_cast %get3A_441 : vector<1x16xf32> to vector<16xf32>
        %mul3A_443 = vector.broadcast %squeeze3A_423 : f32 to vector<16xf32>
        %mul3A_444 = arith.mulf %get3A_442, %mul3A_443 : vector<16xf32>
        %swap3A_445 = arith.index_cast %add3A_427 : i32 to index
        %swap3A_446 = arith.constant 16 : index
        %swap3A_447 = tpu.vector_load %arg9[%swap3A_445, %swap3A_446] {strides = array<i32>} : memref<80x64xf32, #tpu.memory_space<vmem>>, vector<1x16xf32>,
        %swap3A_448 = vector.shape_cast %swap3A_447 : vector<1x16xf32> to vector<16xf32>
        %swap3A_449 = vector.shape_cast %mul3A_444 : vector<16xf32> to vector<1x16xf32>
        tpu.vector_store %arg9[%swap3A_445, %swap3A_446], %swap3A_449 {strides = array<i32>} : memref<80x64xf32, #tpu.memory_space<vmem>>, vector<1x16xf32>,
        %get3A_450 = arith.index_cast %add3A_427 : i32 to index
        %get3A_451 = arith.constant 32 : index
        %get3A_452 = tpu.vector_load %arg9[%get3A_450, %get3A_451] {strides = array<i32>} : memref<80x64xf32, #tpu.memory_space<vmem>>, vector<1x16xf32>,
        %get3A_453 = vector.shape_cast %get3A_452 : vector<1x16xf32> to vector<16xf32>
        %mul3A_454 = vector.broadcast %squeeze3A_423 : f32 to vector<16xf32>
        %mul3A_455 = arith.mulf %get3A_453, %mul3A_454 : vector<16xf32>
        %swap3A_456 = arith.index_cast %add3A_427 : i32 to index
        %swap3A_457 = arith.constant 32 : index
        %swap3A_458 = tpu.vector_load %arg9[%swap3A_456, %swap3A_457] {strides = array<i32>} : memref<80x64xf32, #tpu.memory_space<vmem>>, vector<1x16xf32>,
        %swap3A_459 = vector.shape_cast %swap3A_458 : vector<1x16xf32> to vector<16xf32>
        %swap3A_460 = vector.shape_cast %mul3A_455 : vector<16xf32> to vector<1x16xf32>
        tpu.vector_store %arg9[%swap3A_456, %swap3A_457], %swap3A_460 {strides = array<i32>} : memref<80x64xf32, #tpu.memory_space<vmem>>, vector<1x16xf32>,
        %get3A_461 = arith.index_cast %add3A_427 : i32 to index
        %get3A_462 = arith.constant 48 : index
        %get3A_463 = tpu.vector_load %arg9[%get3A_461, %get3A_462] {strides = array<i32>} : memref<80x64xf32, #tpu.memory_space<vmem>>, vector<1x16xf32>,
        %get3A_464 = vector.shape_cast %get3A_463 : vector<1x16xf32> to vector<16xf32>
        %mul3A_465 = vector.broadcast %squeeze3A_423 : f32 to vector<16xf32>
        %mul3A_466 = arith.mulf %get3A_464, %mul3A_465 : vector<16xf32>
        %swap3A_467 = arith.index_cast %add3A_427 : i32 to index
        %swap3A_468 = arith.constant 48 : index
        %swap3A_469 = tpu.vector_load %arg9[%swap3A_467, %swap3A_468] {strides = array<i32>} : memref<80x64xf32, #tpu.memory_space<vmem>>, vector<1x16xf32>,
        %swap3A_470 = vector.shape_cast %swap3A_469 : vector<1x16xf32> to vector<16xf32>
        %swap3A_471 = vector.shape_cast %mul3A_466 : vector<16xf32> to vector<1x16xf32>
        tpu.vector_store %arg9[%swap3A_467, %swap3A_468], %swap3A_471 {strides = array<i32>} : memref<80x64xf32, #tpu.memory_space<vmem>>, vector<1x16xf32>,
        %slice3A_472 = vector.extract_strided_slice %get3A_74 {offsets = [8], sizes = [1], strides = [1]} : vector<16xf32> to vector<1xf32>
        %squeeze3A_473 = vector.extract %slice3A_472[0] : f32 from vector<1xf32>
        %mul3A_474 = arith.constant 16 : i32
        %mul3A_475 = arith.muli %scan3A_66, %mul3A_474 : i32
        %add3A_476 = arith.constant 8 : i32
        %add3A_477 = arith.addi %mul3A_475, %add3A_476 : i32
        %get3A_478 = arith.index_cast %add3A_477 : i32 to index
        %get3A_479 = arith.constant 0 : index
        %get3A_480 = tpu.vector_load %arg9[%get3A_478, %get3A_479] {strides = array<i32>} : memref<80x64xf32, #tpu.memory_space<vmem>>, vector<1x16xf32>,
        %get3A_481 = vector.shape_cast %get3A_480 : vector<1x16xf32> to vector<16xf32>
        %mul3A_482 = vector.broadcast %squeeze3A_473 : f32 to vector<16xf32>
        %mul3A_483 = arith.mulf %get3A_481, %mul3A_482 : vector<16xf32>
        %swap3A_484 = arith.index_cast %add3A_477 : i32 to index
        %swap3A_485 = arith.constant 0 : index
        %swap3A_486 = tpu.vector_load %arg9[%swap3A_484, %swap3A_485] {strides = array<i32>} : memref<80x64xf32, #tpu.memory_space<vmem>>, vector<1x16xf32>,
        %swap3A_487 = vector.shape_cast %swap3A_486 : vector<1x16xf32> to vector<16xf32>
        %swap3A_488 = vector.shape_cast %mul3A_483 : vector<16xf32> to vector<1x16xf32>
        tpu.vector_store %arg9[%swap3A_484, %swap3A_485], %swap3A_488 {strides = array<i32>} : memref<80x64xf32, #tpu.memory_space<vmem>>, vector<1x16xf32>,
        %get3A_489 = arith.index_cast %add3A_477 : i32 to index
        %get3A_490 = arith.constant 16 : index
        %get3A_491 = tpu.vector_load %arg9[%get3A_489, %get3A_490] {strides = array<i32>} : memref<80x64xf32, #tpu.memory_space<vmem>>, vector<1x16xf32>,
        %get3A_492 = vector.shape_cast %get3A_491 : vector<1x16xf32> to vector<16xf32>
        %mul3A_493 = vector.broadcast %squeeze3A_473 : f32 to vector<16xf32>
        %mul3A_494 = arith.mulf %get3A_492, %mul3A_493 : vector<16xf32>
        %swap3A_495 = arith.index_cast %add3A_477 : i32 to index
        %swap3A_496 = arith.constant 16 : index
        %swap3A_497 = tpu.vector_load %arg9[%swap3A_495, %swap3A_496] {strides = array<i32>} : memref<80x64xf32, #tpu.memory_space<vmem>>, vector<1x16xf32>,
        %swap3A_498 = vector.shape_cast %swap3A_497 : vector<1x16xf32> to vector<16xf32>
        %swap3A_499 = vector.shape_cast %mul3A_494 : vector<16xf32> to vector<1x16xf32>
        tpu.vector_store %arg9[%swap3A_495, %swap3A_496], %swap3A_499 {strides = array<i32>} : memref<80x64xf32, #tpu.memory_space<vmem>>, vector<1x16xf32>,
        %get3A_500 = arith.index_cast %add3A_477 : i32 to index
        %get3A_501 = arith.constant 32 : index
        %get3A_502 = tpu.vector_load %arg9[%get3A_500, %get3A_501] {strides = array<i32>} : memref<80x64xf32, #tpu.memory_space<vmem>>, vector<1x16xf32>,
        %get3A_503 = vector.shape_cast %get3A_502 : vector<1x16xf32> to vector<16xf32>
        %mul3A_504 = vector.broadcast %squeeze3A_473 : f32 to vector<16xf32>
        %mul3A_505 = arith.mulf %get3A_503, %mul3A_504 : vector<16xf32>
        %swap3A_506 = arith.index_cast %add3A_477 : i32 to index
        %swap3A_507 = arith.constant 32 : index
        %swap3A_508 = tpu.vector_load %arg9[%swap3A_506, %swap3A_507] {strides = array<i32>} : memref<80x64xf32, #tpu.memory_space<vmem>>, vector<1x16xf32>,
        %swap3A_509 = vector.shape_cast %swap3A_508 : vector<1x16xf32> to vector<16xf32>
        %swap3A_510 = vector.shape_cast %mul3A_505 : vector<16xf32> to vector<1x16xf32>
        tpu.vector_store %arg9[%swap3A_506, %swap3A_507], %swap3A_510 {strides = array<i32>} : memref<80x64xf32, #tpu.memory_space<vmem>>, vector<1x16xf32>,
        %get3A_511 = arith.index_cast %add3A_477 : i32 to index
        %get3A_512 = arith.constant 48 : index
        %get3A_513 = tpu.vector_load %arg9[%get3A_511, %get3A_512] {strides = array<i32>} : memref<80x64xf32, #tpu.memory_space<vmem>>, vector<1x16xf32>,
        %get3A_514 = vector.shape_cast %get3A_513 : vector<1x16xf32> to vector<16xf32>
        %mul3A_515 = vector.broadcast %squeeze3A_473 : f32 to vector<16xf32>
        %mul3A_516 = arith.mulf %get3A_514, %mul3A_515 : vector<16xf32>
        %swap3A_517 = arith.index_cast %add3A_477 : i32 to index
        %swap3A_518 = arith.constant 48 : index
        %swap3A_519 = tpu.vector_load %arg9[%swap3A_517, %swap3A_518] {strides = array<i32>} : memref<80x64xf32, #tpu.memory_space<vmem>>, vector<1x16xf32>,
        %swap3A_520 = vector.shape_cast %swap3A_519 : vector<1x16xf32> to vector<16xf32>
        %swap3A_521 = vector.shape_cast %mul3A_516 : vector<16xf32> to vector<1x16xf32>
        tpu.vector_store %arg9[%swap3A_517, %swap3A_518], %swap3A_521 {strides = array<i32>} : memref<80x64xf32, #tpu.memory_space<vmem>>, vector<1x16xf32>,
        %slice3A_522 = vector.extract_strided_slice %get3A_74 {offsets = [9], sizes = [1], strides = [1]} : vector<16xf32> to vector<1xf32>
        %squeeze3A_523 = vector.extract %slice3A_522[0] : f32 from vector<1xf32>
        %mul3A_524 = arith.constant 16 : i32
        %mul3A_525 = arith.muli %scan3A_66, %mul3A_524 : i32
        %add3A_526 = arith.constant 9 : i32
        %add3A_527 = arith.addi %mul3A_525, %add3A_526 : i32
        %get3A_528 = arith.index_cast %add3A_527 : i32 to index
        %get3A_529 = arith.constant 0 : index
        %get3A_530 = tpu.vector_load %arg9[%get3A_528, %get3A_529] {strides = array<i32>} : memref<80x64xf32, #tpu.memory_space<vmem>>, vector<1x16xf32>,
        %get3A_531 = vector.shape_cast %get3A_530 : vector<1x16xf32> to vector<16xf32>
        %mul3A_532 = vector.broadcast %squeeze3A_523 : f32 to vector<16xf32>
        %mul3A_533 = arith.mulf %get3A_531, %mul3A_532 : vector<16xf32>
        %swap3A_534 = arith.index_cast %add3A_527 : i32 to index
        %swap3A_535 = arith.constant 0 : index
        %swap3A_536 = tpu.vector_load %arg9[%swap3A_534, %swap3A_535] {strides = array<i32>} : memref<80x64xf32, #tpu.memory_space<vmem>>, vector<1x16xf32>,
        %swap3A_537 = vector.shape_cast %swap3A_536 : vector<1x16xf32> to vector<16xf32>
        %swap3A_538 = vector.shape_cast %mul3A_533 : vector<16xf32> to vector<1x16xf32>
        tpu.vector_store %arg9[%swap3A_534, %swap3A_535], %swap3A_538 {strides = array<i32>} : memref<80x64xf32, #tpu.memory_space<vmem>>, vector<1x16xf32>,
        %get3A_539 = arith.index_cast %add3A_527 : i32 to index
        %get3A_540 = arith.constant 16 : index
        %get3A_541 = tpu.vector_load %arg9[%get3A_539, %get3A_540] {strides = array<i32>} : memref<80x64xf32, #tpu.memory_space<vmem>>, vector<1x16xf32>,
        %get3A_542 = vector.shape_cast %get3A_541 : vector<1x16xf32> to vector<16xf32>
        %mul3A_543 = vector.broadcast %squeeze3A_523 : f32 to vector<16xf32>
        %mul3A_544 = arith.mulf %get3A_542, %mul3A_543 : vector<16xf32>
        %swap3A_545 = arith.index_cast %add3A_527 : i32 to index
        %swap3A_546 = arith.constant 16 : index
        %swap3A_547 = tpu.vector_load %arg9[%swap3A_545, %swap3A_546] {strides = array<i32>} : memref<80x64xf32, #tpu.memory_space<vmem>>, vector<1x16xf32>,
        %swap3A_548 = vector.shape_cast %swap3A_547 : vector<1x16xf32> to vector<16xf32>
        %swap3A_549 = vector.shape_cast %mul3A_544 : vector<16xf32> to vector<1x16xf32>
        tpu.vector_store %arg9[%swap3A_545, %swap3A_546], %swap3A_549 {strides = array<i32>} : memref<80x64xf32, #tpu.memory_space<vmem>>, vector<1x16xf32>,
        %get3A_550 = arith.index_cast %add3A_527 : i32 to index
        %get3A_551 = arith.constant 32 : index
        %get3A_552 = tpu.vector_load %arg9[%get3A_550, %get3A_551] {strides = array<i32>} : memref<80x64xf32, #tpu.memory_space<vmem>>, vector<1x16xf32>,
        %get3A_553 = vector.shape_cast %get3A_552 : vector<1x16xf32> to vector<16xf32>
        %mul3A_554 = vector.broadcast %squeeze3A_523 : f32 to vector<16xf32>
        %mul3A_555 = arith.mulf %get3A_553, %mul3A_554 : vector<16xf32>
        %swap3A_556 = arith.index_cast %add3A_527 : i32 to index
        %swap3A_557 = arith.constant 32 : index
        %swap3A_558 = tpu.vector_load %arg9[%swap3A_556, %swap3A_557] {strides = array<i32>} : memref<80x64xf32, #tpu.memory_space<vmem>>, vector<1x16xf32>,
        %swap3A_559 = vector.shape_cast %swap3A_558 : vector<1x16xf32> to vector<16xf32>
        %swap3A_560 = vector.shape_cast %mul3A_555 : vector<16xf32> to vector<1x16xf32>
        tpu.vector_store %arg9[%swap3A_556, %swap3A_557], %swap3A_560 {strides = array<i32>} : memref<80x64xf32, #tpu.memory_space<vmem>>, vector<1x16xf32>,
        %get3A_561 = arith.index_cast %add3A_527 : i32 to index
        %get3A_562 = arith.constant 48 : index
        %get3A_563 = tpu.vector_load %arg9[%get3A_561, %get3A_562] {strides = array<i32>} : memref<80x64xf32, #tpu.memory_space<vmem>>, vector<1x16xf32>,
        %get3A_564 = vector.shape_cast %get3A_563 : vector<1x16xf32> to vector<16xf32>
        %mul3A_565 = vector.broadcast %squeeze3A_523 : f32 to vector<16xf32>
        %mul3A_566 = arith.mulf %get3A_564, %mul3A_565 : vector<16xf32>
        %swap3A_567 = arith.index_cast %add3A_527 : i32 to index
        %swap3A_568 = arith.constant 48 : index
        %swap3A_569 = tpu.vector_load %arg9[%swap3A_567, %swap3A_568] {strides = array<i32>} : memref<80x64xf32, #tpu.memory_space<vmem>>, vector<1x16xf32>,
        %swap3A_570 = vector.shape_cast %swap3A_569 : vector<1x16xf32> to vector<16xf32>
        %swap3A_571 = vector.shape_cast %mul3A_566 : vector<16xf32> to vector<1x16xf32>
        tpu.vector_store %arg9[%swap3A_567, %swap3A_568], %swap3A_571 {strides = array<i32>} : memref<80x64xf32, #tpu.memory_space<vmem>>, vector<1x16xf32>,
        %slice3A_572 = vector.extract_strided_slice %get3A_74 {offsets = [10], sizes = [1], strides = [1]} : vector<16xf32> to vector<1xf32>
        %squeeze3A_573 = vector.extract %slice3A_572[0] : f32 from vector<1xf32>
        %mul3A_574 = arith.constant 16 : i32
        %mul3A_575 = arith.muli %scan3A_66, %mul3A_574 : i32
        %add3A_576 = arith.constant 10 : i32
        %add3A_577 = arith.addi %mul3A_575, %add3A_576 : i32
        %get3A_578 = arith.index_cast %add3A_577 : i32 to index
        %get3A_579 = arith.constant 0 : index
        %get3A_580 = tpu.vector_load %arg9[%get3A_578, %get3A_579] {strides = array<i32>} : memref<80x64xf32, #tpu.memory_space<vmem>>, vector<1x16xf32>,
        %get3A_581 = vector.shape_cast %get3A_580 : vector<1x16xf32> to vector<16xf32>
        %mul3A_582 = vector.broadcast %squeeze3A_573 : f32 to vector<16xf32>
        %mul3A_583 = arith.mulf %get3A_581, %mul3A_582 : vector<16xf32>
        %swap3A_584 = arith.index_cast %add3A_577 : i32 to index
        %swap3A_585 = arith.constant 0 : index
        %swap3A_586 = tpu.vector_load %arg9[%swap3A_584, %swap3A_585] {strides = array<i32>} : memref<80x64xf32, #tpu.memory_space<vmem>>, vector<1x16xf32>,
        %swap3A_587 = vector.shape_cast %swap3A_586 : vector<1x16xf32> to vector<16xf32>
        %swap3A_588 = vector.shape_cast %mul3A_583 : vector<16xf32> to vector<1x16xf32>
        tpu.vector_store %arg9[%swap3A_584, %swap3A_585], %swap3A_588 {strides = array<i32>} : memref<80x64xf32, #tpu.memory_space<vmem>>, vector<1x16xf32>,
        %get3A_589 = arith.index_cast %add3A_577 : i32 to index
        %get3A_590 = arith.constant 16 : index
        %get3A_591 = tpu.vector_load %arg9[%get3A_589, %get3A_590] {strides = array<i32>} : memref<80x64xf32, #tpu.memory_space<vmem>>, vector<1x16xf32>,
        %get3A_592 = vector.shape_cast %get3A_591 : vector<1x16xf32> to vector<16xf32>
        %mul3A_593 = vector.broadcast %squeeze3A_573 : f32 to vector<16xf32>
        %mul3A_594 = arith.mulf %get3A_592, %mul3A_593 : vector<16xf32>
        %swap3A_595 = arith.index_cast %add3A_577 : i32 to index
        %swap3A_596 = arith.constant 16 : index
        %swap3A_597 = tpu.vector_load %arg9[%swap3A_595, %swap3A_596] {strides = array<i32>} : memref<80x64xf32, #tpu.memory_space<vmem>>, vector<1x16xf32>,
        %swap3A_598 = vector.shape_cast %swap3A_597 : vector<1x16xf32> to vector<16xf32>
        %swap3A_599 = vector.shape_cast %mul3A_594 : vector<16xf32> to vector<1x16xf32>
        tpu.vector_store %arg9[%swap3A_595, %swap3A_596], %swap3A_599 {strides = array<i32>} : memref<80x64xf32, #tpu.memory_space<vmem>>, vector<1x16xf32>,
        %get3A_600 = arith.index_cast %add3A_577 : i32 to index
        %get3A_601 = arith.constant 32 : index
        %get3A_602 = tpu.vector_load %arg9[%get3A_600, %get3A_601] {strides = array<i32>} : memref<80x64xf32, #tpu.memory_space<vmem>>, vector<1x16xf32>,
        %get3A_603 = vector.shape_cast %get3A_602 : vector<1x16xf32> to vector<16xf32>
        %mul3A_604 = vector.broadcast %squeeze3A_573 : f32 to vector<16xf32>
        %mul3A_605 = arith.mulf %get3A_603, %mul3A_604 : vector<16xf32>
        %swap3A_606 = arith.index_cast %add3A_577 : i32 to index
        %swap3A_607 = arith.constant 32 : index
        %swap3A_608 = tpu.vector_load %arg9[%swap3A_606, %swap3A_607] {strides = array<i32>} : memref<80x64xf32, #tpu.memory_space<vmem>>, vector<1x16xf32>,
        %swap3A_609 = vector.shape_cast %swap3A_608 : vector<1x16xf32> to vector<16xf32>
        %swap3A_610 = vector.shape_cast %mul3A_605 : vector<16xf32> to vector<1x16xf32>
        tpu.vector_store %arg9[%swap3A_606, %swap3A_607], %swap3A_610 {strides = array<i32>} : memref<80x64xf32, #tpu.memory_space<vmem>>, vector<1x16xf32>,
        %get3A_611 = arith.index_cast %add3A_577 : i32 to index
        %get3A_612 = arith.constant 48 : index
        %get3A_613 = tpu.vector_load %arg9[%get3A_611, %get3A_612] {strides = array<i32>} : memref<80x64xf32, #tpu.memory_space<vmem>>, vector<1x16xf32>,
        %get3A_614 = vector.shape_cast %get3A_613 : vector<1x16xf32> to vector<16xf32>
        %mul3A_615 = vector.broadcast %squeeze3A_573 : f32 to vector<16xf32>
        %mul3A_616 = arith.mulf %get3A_614, %mul3A_615 : vector<16xf32>
        %swap3A_617 = arith.index_cast %add3A_577 : i32 to index
        %swap3A_618 = arith.constant 48 : index
        %swap3A_619 = tpu.vector_load %arg9[%swap3A_617, %swap3A_618] {strides = array<i32>} : memref<80x64xf32, #tpu.memory_space<vmem>>, vector<1x16xf32>,
        %swap3A_620 = vector.shape_cast %swap3A_619 : vector<1x16xf32> to vector<16xf32>
        %swap3A_621 = vector.shape_cast %mul3A_616 : vector<16xf32> to vector<1x16xf32>
        tpu.vector_store %arg9[%swap3A_617, %swap3A_618], %swap3A_621 {strides = array<i32>} : memref<80x64xf32, #tpu.memory_space<vmem>>, vector<1x16xf32>,
        %slice3A_622 = vector.extract_strided_slice %get3A_74 {offsets = [11], sizes = [1], strides = [1]} : vector<16xf32> to vector<1xf32>
        %squeeze3A_623 = vector.extract %slice3A_622[0] : f32 from vector<1xf32>
        %mul3A_624 = arith.constant 16 : i32
        %mul3A_625 = arith.muli %scan3A_66, %mul3A_624 : i32
        %add3A_626 = arith.constant 11 : i32
        %add3A_627 = arith.addi %mul3A_625, %add3A_626 : i32
        %get3A_628 = arith.index_cast %add3A_627 : i32 to index
        %get3A_629 = arith.constant 0 : index
        %get3A_630 = tpu.vector_load %arg9[%get3A_628, %get3A_629] {strides = array<i32>} : memref<80x64xf32, #tpu.memory_space<vmem>>, vector<1x16xf32>,
        %get3A_631 = vector.shape_cast %get3A_630 : vector<1x16xf32> to vector<16xf32>
        %mul3A_632 = vector.broadcast %squeeze3A_623 : f32 to vector<16xf32>
        %mul3A_633 = arith.mulf %get3A_631, %mul3A_632 : vector<16xf32>
        %swap3A_634 = arith.index_cast %add3A_627 : i32 to index
        %swap3A_635 = arith.constant 0 : index
        %swap3A_636 = tpu.vector_load %arg9[%swap3A_634, %swap3A_635] {strides = array<i32>} : memref<80x64xf32, #tpu.memory_space<vmem>>, vector<1x16xf32>,
        %swap3A_637 = vector.shape_cast %swap3A_636 : vector<1x16xf32> to vector<16xf32>
        %swap3A_638 = vector.shape_cast %mul3A_633 : vector<16xf32> to vector<1x16xf32>
        tpu.vector_store %arg9[%swap3A_634, %swap3A_635], %swap3A_638 {strides = array<i32>} : memref<80x64xf32, #tpu.memory_space<vmem>>, vector<1x16xf32>,
        %get3A_639 = arith.index_cast %add3A_627 : i32 to index
        %get3A_640 = arith.constant 16 : index
        %get3A_641 = tpu.vector_load %arg9[%get3A_639, %get3A_640] {strides = array<i32>} : memref<80x64xf32, #tpu.memory_space<vmem>>, vector<1x16xf32>,
        %get3A_642 = vector.shape_cast %get3A_641 : vector<1x16xf32> to vector<16xf32>
        %mul3A_643 = vector.broadcast %squeeze3A_623 : f32 to vector<16xf32>
        %mul3A_644 = arith.mulf %get3A_642, %mul3A_643 : vector<16xf32>
        %swap3A_645 = arith.index_cast %add3A_627 : i32 to index
        %swap3A_646 = arith.constant 16 : index
        %swap3A_647 = tpu.vector_load %arg9[%swap3A_645, %swap3A_646] {strides = array<i32>} : memref<80x64xf32, #tpu.memory_space<vmem>>, vector<1x16xf32>,
        %swap3A_648 = vector.shape_cast %swap3A_647 : vector<1x16xf32> to vector<16xf32>
        %swap3A_649 = vector.shape_cast %mul3A_644 : vector<16xf32> to vector<1x16xf32>
        tpu.vector_store %arg9[%swap3A_645, %swap3A_646], %swap3A_649 {strides = array<i32>} : memref<80x64xf32, #tpu.memory_space<vmem>>, vector<1x16xf32>,
        %get3A_650 = arith.index_cast %add3A_627 : i32 to index
        %get3A_651 = arith.constant 32 : index
        %get3A_652 = tpu.vector_load %arg9[%get3A_650, %get3A_651] {strides = array<i32>} : memref<80x64xf32, #tpu.memory_space<vmem>>, vector<1x16xf32>,
        %get3A_653 = vector.shape_cast %get3A_652 : vector<1x16xf32> to vector<16xf32>
        %mul3A_654 = vector.broadcast %squeeze3A_623 : f32 to vector<16xf32>
        %mul3A_655 = arith.mulf %get3A_653, %mul3A_654 : vector<16xf32>
        %swap3A_656 = arith.index_cast %add3A_627 : i32 to index
        %swap3A_657 = arith.constant 32 : index
        %swap3A_658 = tpu.vector_load %arg9[%swap3A_656, %swap3A_657] {strides = array<i32>} : memref<80x64xf32, #tpu.memory_space<vmem>>, vector<1x16xf32>,
        %swap3A_659 = vector.shape_cast %swap3A_658 : vector<1x16xf32> to vector<16xf32>
        %swap3A_660 = vector.shape_cast %mul3A_655 : vector<16xf32> to vector<1x16xf32>
        tpu.vector_store %arg9[%swap3A_656, %swap3A_657], %swap3A_660 {strides = array<i32>} : memref<80x64xf32, #tpu.memory_space<vmem>>, vector<1x16xf32>,
        %get3A_661 = arith.index_cast %add3A_627 : i32 to index
        %get3A_662 = arith.constant 48 : index
        %get3A_663 = tpu.vector_load %arg9[%get3A_661, %get3A_662] {strides = array<i32>} : memref<80x64xf32, #tpu.memory_space<vmem>>, vector<1x16xf32>,
        %get3A_664 = vector.shape_cast %get3A_663 : vector<1x16xf32> to vector<16xf32>
        %mul3A_665 = vector.broadcast %squeeze3A_623 : f32 to vector<16xf32>
        %mul3A_666 = arith.mulf %get3A_664, %mul3A_665 : vector<16xf32>
        %swap3A_667 = arith.index_cast %add3A_627 : i32 to index
        %swap3A_668 = arith.constant 48 : index
        %swap3A_669 = tpu.vector_load %arg9[%swap3A_667, %swap3A_668] {strides = array<i32>} : memref<80x64xf32, #tpu.memory_space<vmem>>, vector<1x16xf32>,
        %swap3A_670 = vector.shape_cast %swap3A_669 : vector<1x16xf32> to vector<16xf32>
        %swap3A_671 = vector.shape_cast %mul3A_666 : vector<16xf32> to vector<1x16xf32>
        tpu.vector_store %arg9[%swap3A_667, %swap3A_668], %swap3A_671 {strides = array<i32>} : memref<80x64xf32, #tpu.memory_space<vmem>>, vector<1x16xf32>,
        %slice3A_672 = vector.extract_strided_slice %get3A_74 {offsets = [12], sizes = [1], strides = [1]} : vector<16xf32> to vector<1xf32>
        %squeeze3A_673 = vector.extract %slice3A_672[0] : f32 from vector<1xf32>
        %mul3A_674 = arith.constant 16 : i32
        %mul3A_675 = arith.muli %scan3A_66, %mul3A_674 : i32
        %add3A_676 = arith.constant 12 : i32
        %add3A_677 = arith.addi %mul3A_675, %add3A_676 : i32
        %get3A_678 = arith.index_cast %add3A_677 : i32 to index
        %get3A_679 = arith.constant 0 : index
        %get3A_680 = tpu.vector_load %arg9[%get3A_678, %get3A_679] {strides = array<i32>} : memref<80x64xf32, #tpu.memory_space<vmem>>, vector<1x16xf32>,
        %get3A_681 = vector.shape_cast %get3A_680 : vector<1x16xf32> to vector<16xf32>
        %mul3A_682 = vector.broadcast %squeeze3A_673 : f32 to vector<16xf32>
        %mul3A_683 = arith.mulf %get3A_681, %mul3A_682 : vector<16xf32>
        %swap3A_684 = arith.index_cast %add3A_677 : i32 to index
        %swap3A_685 = arith.constant 0 : index
        %swap3A_686 = tpu.vector_load %arg9[%swap3A_684, %swap3A_685] {strides = array<i32>} : memref<80x64xf32, #tpu.memory_space<vmem>>, vector<1x16xf32>,
        %swap3A_687 = vector.shape_cast %swap3A_686 : vector<1x16xf32> to vector<16xf32>
        %swap3A_688 = vector.shape_cast %mul3A_683 : vector<16xf32> to vector<1x16xf32>
        tpu.vector_store %arg9[%swap3A_684, %swap3A_685], %swap3A_688 {strides = array<i32>} : memref<80x64xf32, #tpu.memory_space<vmem>>, vector<1x16xf32>,
        %get3A_689 = arith.index_cast %add3A_677 : i32 to index
        %get3A_690 = arith.constant 16 : index
        %get3A_691 = tpu.vector_load %arg9[%get3A_689, %get3A_690] {strides = array<i32>} : memref<80x64xf32, #tpu.memory_space<vmem>>, vector<1x16xf32>,
        %get3A_692 = vector.shape_cast %get3A_691 : vector<1x16xf32> to vector<16xf32>
        %mul3A_693 = vector.broadcast %squeeze3A_673 : f32 to vector<16xf32>
        %mul3A_694 = arith.mulf %get3A_692, %mul3A_693 : vector<16xf32>
        %swap3A_695 = arith.index_cast %add3A_677 : i32 to index
        %swap3A_696 = arith.constant 16 : index
        %swap3A_697 = tpu.vector_load %arg9[%swap3A_695, %swap3A_696] {strides = array<i32>} : memref<80x64xf32, #tpu.memory_space<vmem>>, vector<1x16xf32>,
        %swap3A_698 = vector.shape_cast %swap3A_697 : vector<1x16xf32> to vector<16xf32>
        %swap3A_699 = vector.shape_cast %mul3A_694 : vector<16xf32> to vector<1x16xf32>
        tpu.vector_store %arg9[%swap3A_695, %swap3A_696], %swap3A_699 {strides = array<i32>} : memref<80x64xf32, #tpu.memory_space<vmem>>, vector<1x16xf32>,
        %get3A_700 = arith.index_cast %add3A_677 : i32 to index
        %get3A_701 = arith.constant 32 : index
        %get3A_702 = tpu.vector_load %arg9[%get3A_700, %get3A_701] {strides = array<i32>} : memref<80x64xf32, #tpu.memory_space<vmem>>, vector<1x16xf32>,
        %get3A_703 = vector.shape_cast %get3A_702 : vector<1x16xf32> to vector<16xf32>
        %mul3A_704 = vector.broadcast %squeeze3A_673 : f32 to vector<16xf32>
        %mul3A_705 = arith.mulf %get3A_703, %mul3A_704 : vector<16xf32>
        %swap3A_706 = arith.index_cast %add3A_677 : i32 to index
        %swap3A_707 = arith.constant 32 : index
        %swap3A_708 = tpu.vector_load %arg9[%swap3A_706, %swap3A_707] {strides = array<i32>} : memref<80x64xf32, #tpu.memory_space<vmem>>, vector<1x16xf32>,
        %swap3A_709 = vector.shape_cast %swap3A_708 : vector<1x16xf32> to vector<16xf32>
        %swap3A_710 = vector.shape_cast %mul3A_705 : vector<16xf32> to vector<1x16xf32>
        tpu.vector_store %arg9[%swap3A_706, %swap3A_707], %swap3A_710 {strides = array<i32>} : memref<80x64xf32, #tpu.memory_space<vmem>>, vector<1x16xf32>,
        %get3A_711 = arith.index_cast %add3A_677 : i32 to index
        %get3A_712 = arith.constant 48 : index
        %get3A_713 = tpu.vector_load %arg9[%get3A_711, %get3A_712] {strides = array<i32>} : memref<80x64xf32, #tpu.memory_space<vmem>>, vector<1x16xf32>,
        %get3A_714 = vector.shape_cast %get3A_713 : vector<1x16xf32> to vector<16xf32>
        %mul3A_715 = vector.broadcast %squeeze3A_673 : f32 to vector<16xf32>
        %mul3A_716 = arith.mulf %get3A_714, %mul3A_715 : vector<16xf32>
        %swap3A_717 = arith.index_cast %add3A_677 : i32 to index
        %swap3A_718 = arith.constant 48 : index
        %swap3A_719 = tpu.vector_load %arg9[%swap3A_717, %swap3A_718] {strides = array<i32>} : memref<80x64xf32, #tpu.memory_space<vmem>>, vector<1x16xf32>,
        %swap3A_720 = vector.shape_cast %swap3A_719 : vector<1x16xf32> to vector<16xf32>
        %swap3A_721 = vector.shape_cast %mul3A_716 : vector<16xf32> to vector<1x16xf32>
        tpu.vector_store %arg9[%swap3A_717, %swap3A_718], %swap3A_721 {strides = array<i32>} : memref<80x64xf32, #tpu.memory_space<vmem>>, vector<1x16xf32>,
        %slice3A_722 = vector.extract_strided_slice %get3A_74 {offsets = [13], sizes = [1], strides = [1]} : vector<16xf32> to vector<1xf32>
        %squeeze3A_723 = vector.extract %slice3A_722[0] : f32 from vector<1xf32>
        %mul3A_724 = arith.constant 16 : i32
        %mul3A_725 = arith.muli %scan3A_66, %mul3A_724 : i32
        %add3A_726 = arith.constant 13 : i32
        %add3A_727 = arith.addi %mul3A_725, %add3A_726 : i32
        %get3A_728 = arith.index_cast %add3A_727 : i32 to index
        %get3A_729 = arith.constant 0 : index
        %get3A_730 = tpu.vector_load %arg9[%get3A_728, %get3A_729] {strides = array<i32>} : memref<80x64xf32, #tpu.memory_space<vmem>>, vector<1x16xf32>,
        %get3A_731 = vector.shape_cast %get3A_730 : vector<1x16xf32> to vector<16xf32>
        %mul3A_732 = vector.broadcast %squeeze3A_723 : f32 to vector<16xf32>
        %mul3A_733 = arith.mulf %get3A_731, %mul3A_732 : vector<16xf32>
        %swap3A_734 = arith.index_cast %add3A_727 : i32 to index
        %swap3A_735 = arith.constant 0 : index
        %swap3A_736 = tpu.vector_load %arg9[%swap3A_734, %swap3A_735] {strides = array<i32>} : memref<80x64xf32, #tpu.memory_space<vmem>>, vector<1x16xf32>,
        %swap3A_737 = vector.shape_cast %swap3A_736 : vector<1x16xf32> to vector<16xf32>
        %swap3A_738 = vector.shape_cast %mul3A_733 : vector<16xf32> to vector<1x16xf32>
        tpu.vector_store %arg9[%swap3A_734, %swap3A_735], %swap3A_738 {strides = array<i32>} : memref<80x64xf32, #tpu.memory_space<vmem>>, vector<1x16xf32>,
        %get3A_739 = arith.index_cast %add3A_727 : i32 to index
        %get3A_740 = arith.constant 16 : index
        %get3A_741 = tpu.vector_load %arg9[%get3A_739, %get3A_740] {strides = array<i32>} : memref<80x64xf32, #tpu.memory_space<vmem>>, vector<1x16xf32>,
        %get3A_742 = vector.shape_cast %get3A_741 : vector<1x16xf32> to vector<16xf32>
        %mul3A_743 = vector.broadcast %squeeze3A_723 : f32 to vector<16xf32>
        %mul3A_744 = arith.mulf %get3A_742, %mul3A_743 : vector<16xf32>
        %swap3A_745 = arith.index_cast %add3A_727 : i32 to index
        %swap3A_746 = arith.constant 16 : index
        %swap3A_747 = tpu.vector_load %arg9[%swap3A_745, %swap3A_746] {strides = array<i32>} : memref<80x64xf32, #tpu.memory_space<vmem>>, vector<1x16xf32>,
        %swap3A_748 = vector.shape_cast %swap3A_747 : vector<1x16xf32> to vector<16xf32>
        %swap3A_749 = vector.shape_cast %mul3A_744 : vector<16xf32> to vector<1x16xf32>
        tpu.vector_store %arg9[%swap3A_745, %swap3A_746], %swap3A_749 {strides = array<i32>} : memref<80x64xf32, #tpu.memory_space<vmem>>, vector<1x16xf32>,
        %get3A_750 = arith.index_cast %add3A_727 : i32 to index
        %get3A_751 = arith.constant 32 : index
        %get3A_752 = tpu.vector_load %arg9[%get3A_750, %get3A_751] {strides = array<i32>} : memref<80x64xf32, #tpu.memory_space<vmem>>, vector<1x16xf32>,
        %get3A_753 = vector.shape_cast %get3A_752 : vector<1x16xf32> to vector<16xf32>
        %mul3A_754 = vector.broadcast %squeeze3A_723 : f32 to vector<16xf32>
        %mul3A_755 = arith.mulf %get3A_753, %mul3A_754 : vector<16xf32>
        %swap3A_756 = arith.index_cast %add3A_727 : i32 to index
        %swap3A_757 = arith.constant 32 : index
        %swap3A_758 = tpu.vector_load %arg9[%swap3A_756, %swap3A_757] {strides = array<i32>} : memref<80x64xf32, #tpu.memory_space<vmem>>, vector<1x16xf32>,
        %swap3A_759 = vector.shape_cast %swap3A_758 : vector<1x16xf32> to vector<16xf32>
        %swap3A_760 = vector.shape_cast %mul3A_755 : vector<16xf32> to vector<1x16xf32>
        tpu.vector_store %arg9[%swap3A_756, %swap3A_757], %swap3A_760 {strides = array<i32>} : memref<80x64xf32, #tpu.memory_space<vmem>>, vector<1x16xf32>,
        %get3A_761 = arith.index_cast %add3A_727 : i32 to index
        %get3A_762 = arith.constant 48 : index
        %get3A_763 = tpu.vector_load %arg9[%get3A_761, %get3A_762] {strides = array<i32>} : memref<80x64xf32, #tpu.memory_space<vmem>>, vector<1x16xf32>,
        %get3A_764 = vector.shape_cast %get3A_763 : vector<1x16xf32> to vector<16xf32>
        %mul3A_765 = vector.broadcast %squeeze3A_723 : f32 to vector<16xf32>
        %mul3A_766 = arith.mulf %get3A_764, %mul3A_765 : vector<16xf32>
        %swap3A_767 = arith.index_cast %add3A_727 : i32 to index
        %swap3A_768 = arith.constant 48 : index
        %swap3A_769 = tpu.vector_load %arg9[%swap3A_767, %swap3A_768] {strides = array<i32>} : memref<80x64xf32, #tpu.memory_space<vmem>>, vector<1x16xf32>,
        %swap3A_770 = vector.shape_cast %swap3A_769 : vector<1x16xf32> to vector<16xf32>
        %swap3A_771 = vector.shape_cast %mul3A_766 : vector<16xf32> to vector<1x16xf32>
        tpu.vector_store %arg9[%swap3A_767, %swap3A_768], %swap3A_771 {strides = array<i32>} : memref<80x64xf32, #tpu.memory_space<vmem>>, vector<1x16xf32>,
        %slice3A_772 = vector.extract_strided_slice %get3A_74 {offsets = [14], sizes = [1], strides = [1]} : vector<16xf32> to vector<1xf32>
        %squeeze3A_773 = vector.extract %slice3A_772[0] : f32 from vector<1xf32>
        %mul3A_774 = arith.constant 16 : i32
        %mul3A_775 = arith.muli %scan3A_66, %mul3A_774 : i32
        %add3A_776 = arith.constant 14 : i32
        %add3A_777 = arith.addi %mul3A_775, %add3A_776 : i32
        %get3A_778 = arith.index_cast %add3A_777 : i32 to index
        %get3A_779 = arith.constant 0 : index
        %get3A_780 = tpu.vector_load %arg9[%get3A_778, %get3A_779] {strides = array<i32>} : memref<80x64xf32, #tpu.memory_space<vmem>>, vector<1x16xf32>,
        %get3A_781 = vector.shape_cast %get3A_780 : vector<1x16xf32> to vector<16xf32>
        %mul3A_782 = vector.broadcast %squeeze3A_773 : f32 to vector<16xf32>
        %mul3A_783 = arith.mulf %get3A_781, %mul3A_782 : vector<16xf32>
        %swap3A_784 = arith.index_cast %add3A_777 : i32 to index
        %swap3A_785 = arith.constant 0 : index
        %swap3A_786 = tpu.vector_load %arg9[%swap3A_784, %swap3A_785] {strides = array<i32>} : memref<80x64xf32, #tpu.memory_space<vmem>>, vector<1x16xf32>,
        %swap3A_787 = vector.shape_cast %swap3A_786 : vector<1x16xf32> to vector<16xf32>
        %swap3A_788 = vector.shape_cast %mul3A_783 : vector<16xf32> to vector<1x16xf32>
        tpu.vector_store %arg9[%swap3A_784, %swap3A_785], %swap3A_788 {strides = array<i32>} : memref<80x64xf32, #tpu.memory_space<vmem>>, vector<1x16xf32>,
        %get3A_789 = arith.index_cast %add3A_777 : i32 to index
        %get3A_790 = arith.constant 16 : index
        %get3A_791 = tpu.vector_load %arg9[%get3A_789, %get3A_790] {strides = array<i32>} : memref<80x64xf32, #tpu.memory_space<vmem>>, vector<1x16xf32>,
        %get3A_792 = vector.shape_cast %get3A_791 : vector<1x16xf32> to vector<16xf32>
        %mul3A_793 = vector.broadcast %squeeze3A_773 : f32 to vector<16xf32>
        %mul3A_794 = arith.mulf %get3A_792, %mul3A_793 : vector<16xf32>
        %swap3A_795 = arith.index_cast %add3A_777 : i32 to index
        %swap3A_796 = arith.constant 16 : index
        %swap3A_797 = tpu.vector_load %arg9[%swap3A_795, %swap3A_796] {strides = array<i32>} : memref<80x64xf32, #tpu.memory_space<vmem>>, vector<1x16xf32>,
        %swap3A_798 = vector.shape_cast %swap3A_797 : vector<1x16xf32> to vector<16xf32>
        %swap3A_799 = vector.shape_cast %mul3A_794 : vector<16xf32> to vector<1x16xf32>
        tpu.vector_store %arg9[%swap3A_795, %swap3A_796], %swap3A_799 {strides = array<i32>} : memref<80x64xf32, #tpu.memory_space<vmem>>, vector<1x16xf32>,
        %get3A_800 = arith.index_cast %add3A_777 : i32 to index
        %get3A_801 = arith.constant 32 : index
        %get3A_802 = tpu.vector_load %arg9[%get3A_800, %get3A_801] {strides = array<i32>} : memref<80x64xf32, #tpu.memory_space<vmem>>, vector<1x16xf32>,
        %get3A_803 = vector.shape_cast %get3A_802 : vector<1x16xf32> to vector<16xf32>
        %mul3A_804 = vector.broadcast %squeeze3A_773 : f32 to vector<16xf32>
        %mul3A_805 = arith.mulf %get3A_803, %mul3A_804 : vector<16xf32>
        %swap3A_806 = arith.index_cast %add3A_777 : i32 to index
        %swap3A_807 = arith.constant 32 : index
        %swap3A_808 = tpu.vector_load %arg9[%swap3A_806, %swap3A_807] {strides = array<i32>} : memref<80x64xf32, #tpu.memory_space<vmem>>, vector<1x16xf32>,
        %swap3A_809 = vector.shape_cast %swap3A_808 : vector<1x16xf32> to vector<16xf32>
        %swap3A_810 = vector.shape_cast %mul3A_805 : vector<16xf32> to vector<1x16xf32>
        tpu.vector_store %arg9[%swap3A_806, %swap3A_807], %swap3A_810 {strides = array<i32>} : memref<80x64xf32, #tpu.memory_space<vmem>>, vector<1x16xf32>,
        %get3A_811 = arith.index_cast %add3A_777 : i32 to index
        %get3A_812 = arith.constant 48 : index
        %get3A_813 = tpu.vector_load %arg9[%get3A_811, %get3A_812] {strides = array<i32>} : memref<80x64xf32, #tpu.memory_space<vmem>>, vector<1x16xf32>,
        %get3A_814 = vector.shape_cast %get3A_813 : vector<1x16xf32> to vector<16xf32>
        %mul3A_815 = vector.broadcast %squeeze3A_773 : f32 to vector<16xf32>
        %mul3A_816 = arith.mulf %get3A_814, %mul3A_815 : vector<16xf32>
        %swap3A_817 = arith.index_cast %add3A_777 : i32 to index
        %swap3A_818 = arith.constant 48 : index
        %swap3A_819 = tpu.vector_load %arg9[%swap3A_817, %swap3A_818] {strides = array<i32>} : memref<80x64xf32, #tpu.memory_space<vmem>>, vector<1x16xf32>,
        %swap3A_820 = vector.shape_cast %swap3A_819 : vector<1x16xf32> to vector<16xf32>
        %swap3A_821 = vector.shape_cast %mul3A_816 : vector<16xf32> to vector<1x16xf32>
        tpu.vector_store %arg9[%swap3A_817, %swap3A_818], %swap3A_821 {strides = array<i32>} : memref<80x64xf32, #tpu.memory_space<vmem>>, vector<1x16xf32>,
        %slice3A_822 = vector.extract_strided_slice %get3A_74 {offsets = [15], sizes = [1], strides = [1]} : vector<16xf32> to vector<1xf32>
        %squeeze3A_823 = vector.extract %slice3A_822[0] : f32 from vector<1xf32>
        %mul3A_824 = arith.constant 16 : i32
        %mul3A_825 = arith.muli %scan3A_66, %mul3A_824 : i32
        %add3A_826 = arith.constant 15 : i32
        %add3A_827 = arith.addi %mul3A_825, %add3A_826 : i32
        %get3A_828 = arith.index_cast %add3A_827 : i32 to index
        %get3A_829 = arith.constant 0 : index
        %get3A_830 = tpu.vector_load %arg9[%get3A_828, %get3A_829] {strides = array<i32>} : memref<80x64xf32, #tpu.memory_space<vmem>>, vector<1x16xf32>,
        %get3A_831 = vector.shape_cast %get3A_830 : vector<1x16xf32> to vector<16xf32>
        %mul3A_832 = vector.broadcast %squeeze3A_823 : f32 to vector<16xf32>
        %mul3A_833 = arith.mulf %get3A_831, %mul3A_832 : vector<16xf32>
        %swap3A_834 = arith.index_cast %add3A_827 : i32 to index
        %swap3A_835 = arith.constant 0 : index
        %swap3A_836 = tpu.vector_load %arg9[%swap3A_834, %swap3A_835] {strides = array<i32>} : memref<80x64xf32, #tpu.memory_space<vmem>>, vector<1x16xf32>,
        %swap3A_837 = vector.shape_cast %swap3A_836 : vector<1x16xf32> to vector<16xf32>
        %swap3A_838 = vector.shape_cast %mul3A_833 : vector<16xf32> to vector<1x16xf32>
        tpu.vector_store %arg9[%swap3A_834, %swap3A_835], %swap3A_838 {strides = array<i32>} : memref<80x64xf32, #tpu.memory_space<vmem>>, vector<1x16xf32>,
        %get3A_839 = arith.index_cast %add3A_827 : i32 to index
        %get3A_840 = arith.constant 16 : index
        %get3A_841 = tpu.vector_load %arg9[%get3A_839, %get3A_840] {strides = array<i32>} : memref<80x64xf32, #tpu.memory_space<vmem>>, vector<1x16xf32>,
        %get3A_842 = vector.shape_cast %get3A_841 : vector<1x16xf32> to vector<16xf32>
        %mul3A_843 = vector.broadcast %squeeze3A_823 : f32 to vector<16xf32>
        %mul3A_844 = arith.mulf %get3A_842, %mul3A_843 : vector<16xf32>
        %swap3A_845 = arith.index_cast %add3A_827 : i32 to index
        %swap3A_846 = arith.constant 16 : index
        %swap3A_847 = tpu.vector_load %arg9[%swap3A_845, %swap3A_846] {strides = array<i32>} : memref<80x64xf32, #tpu.memory_space<vmem>>, vector<1x16xf32>,
        %swap3A_848 = vector.shape_cast %swap3A_847 : vector<1x16xf32> to vector<16xf32>
        %swap3A_849 = vector.shape_cast %mul3A_844 : vector<16xf32> to vector<1x16xf32>
        tpu.vector_store %arg9[%swap3A_845, %swap3A_846], %swap3A_849 {strides = array<i32>} : memref<80x64xf32, #tpu.memory_space<vmem>>, vector<1x16xf32>,
        %get3A_850 = arith.index_cast %add3A_827 : i32 to index
        %get3A_851 = arith.constant 32 : index
        %get3A_852 = tpu.vector_load %arg9[%get3A_850, %get3A_851] {strides = array<i32>} : memref<80x64xf32, #tpu.memory_space<vmem>>, vector<1x16xf32>,
        %get3A_853 = vector.shape_cast %get3A_852 : vector<1x16xf32> to vector<16xf32>
        %mul3A_854 = vector.broadcast %squeeze3A_823 : f32 to vector<16xf32>
        %mul3A_855 = arith.mulf %get3A_853, %mul3A_854 : vector<16xf32>
        %swap3A_856 = arith.index_cast %add3A_827 : i32 to index
        %swap3A_857 = arith.constant 32 : index
        %swap3A_858 = tpu.vector_load %arg9[%swap3A_856, %swap3A_857] {strides = array<i32>} : memref<80x64xf32, #tpu.memory_space<vmem>>, vector<1x16xf32>,
        %swap3A_859 = vector.shape_cast %swap3A_858 : vector<1x16xf32> to vector<16xf32>
        %swap3A_860 = vector.shape_cast %mul3A_855 : vector<16xf32> to vector<1x16xf32>
        tpu.vector_store %arg9[%swap3A_856, %swap3A_857], %swap3A_860 {strides = array<i32>} : memref<80x64xf32, #tpu.memory_space<vmem>>, vector<1x16xf32>,
        %get3A_861 = arith.index_cast %add3A_827 : i32 to index
        %get3A_862 = arith.constant 48 : index
        %get3A_863 = tpu.vector_load %arg9[%get3A_861, %get3A_862] {strides = array<i32>} : memref<80x64xf32, #tpu.memory_space<vmem>>, vector<1x16xf32>,
        %get3A_864 = vector.shape_cast %get3A_863 : vector<1x16xf32> to vector<16xf32>
        %mul3A_865 = vector.broadcast %squeeze3A_823 : f32 to vector<16xf32>
        %mul3A_866 = arith.mulf %get3A_864, %mul3A_865 : vector<16xf32>
        %swap3A_867 = arith.index_cast %add3A_827 : i32 to index
        %swap3A_868 = arith.constant 48 : index
        %swap3A_869 = tpu.vector_load %arg9[%swap3A_867, %swap3A_868] {strides = array<i32>} : memref<80x64xf32, #tpu.memory_space<vmem>>, vector<1x16xf32>,
        %swap3A_870 = vector.shape_cast %swap3A_869 : vector<1x16xf32> to vector<16xf32>
        %swap3A_871 = vector.shape_cast %mul3A_866 : vector<16xf32> to vector<1x16xf32>
        tpu.vector_store %arg9[%swap3A_867, %swap3A_868], %swap3A_871 {strides = array<i32>} : memref<80x64xf32, #tpu.memory_space<vmem>>, vector<1x16xf32>,
        %scan3A_872 = arith.constant 0 : i32
        scf.yield %scan3A_872 : i32
      }
      %scan3A_64 = arith.constant 5 : i32
      "tpu.region"() ({
        %run_scoped3A = tpu.sem_alloc : memref<!tpu.dma_semaphore, #tpu.memory_space<semaphore_mem>>
        %dma_start3A = arith.constant 0 : i32
        %dma_start3A_66 = tpu.memref_slice %arg7[%add3A, %dma_start3A] : memref<5120x64xf32, #tpu.memory_space<vmem_shared>> -> memref<80x64xf32, #tpu.memory_space<vmem_shared>>
        %dma_start3A_67 = arith.constant 0 : i32
        %dma_start3A_68 = tpu.memref_slice %arg7[%add3A, %dma_start3A_67] : memref<5120x64xf32, #tpu.memory_space<vmem_shared>> -> memref<80x64xf32, #tpu.memory_space<vmem_shared>>
        tpu.enqueue_dma source(%arg9 : memref<80x64xf32, #tpu.memory_space<vmem>>) target(%dma_start3A_68 : memref<80x64xf32, #tpu.memory_space<vmem_shared>>) target_semaphore(%run_scoped3A : memref<!tpu.dma_semaphore, #tpu.memory_space<semaphore_mem>>)
        %dma_wait3A = arith.constant 0 : i32
        %dma_wait3A_69 = tpu.memref_slice %arg7[%add3A, %dma_wait3A] : memref<5120x64xf32, #tpu.memory_space<vmem_shared>> -> memref<80x64xf32, #tpu.memory_space<vmem_shared>>
        %dma_wait3A_70 = arith.constant 0 : i32
        %dma_wait3A_71 = tpu.memref_slice %arg7[%add3A, %dma_wait3A_70] : memref<5120x64xf32, #tpu.memory_space<vmem_shared>> -> memref<80x64xf32, #tpu.memory_space<vmem_shared>>
        tpu.wait_dma2 semaphore(%run_scoped3A : memref<!tpu.dma_semaphore, #tpu.memory_space<semaphore_mem>>) src(%arg9 : memref<80x64xf32, #tpu.memory_space<vmem>>) dst(%dma_wait3A_71 : memref<80x64xf32, #tpu.memory_space<vmem_shared>>)
        tpu.yield
      }) : () -> ()
      %scan3A_65 = arith.constant 0 : i32
      scf.yield %scan3A_65 : i32
    }
    %scan3A_35 = arith.constant 4 : i32
    %barrier3A_36 = arith.constant 0 : index
    tpu.barrier barrier_id(%barrier3A_36)
    %scan3A_37 = arith.constant 0 : i32
    %scan3A_38 = arith.constant 0 : i32
    %scan3A_39 = arith.constant 4 : i32
    %scan3A_40 = arith.addi %scan3A_38, %scan3A_39 : i32
    %scan3A_41 = arith.constant 1 : i32
    %scan3A_42 = scf.for %scan3A_52 = %scan3A_38 to %scan3A_40 step %scan3A_41 iter_args(%scan3A_53 = %scan3A_37) -> (i32)  : i32 {
      %mul3A_54 = arith.constant 40 : i32
      %mul3A_55 = arith.muli %scan3A_52, %mul3A_54 : i32
      "tpu.region"() ({
        %run_scoped3A = tpu.sem_alloc : memref<!tpu.dma_semaphore, #tpu.memory_space<semaphore_mem>>
        %dma_start3A_78 = arith.constant 0 : i32
        %dma_start3A_79 = tpu.memref_slice %arg3[%arg1, %mul3A_55, %dma_start3A_78] : memref<16x160x125xi32, #tpu.memory_space<hbm>> -> memref<1x40x125xi32, #tpu.memory_space<hbm>>
        %dma_start3A_80 = tpu.memref_squeeze %dma_start3A_79 : memref<1x40x125xi32, #tpu.memory_space<hbm>> -> memref<40x125xi32, #tpu.memory_space<hbm>>
        %dma_start3A_81 = arith.constant 0 : i32
        %dma_start3A_82 = tpu.memref_slice %arg3[%arg1, %mul3A_55, %dma_start3A_81] : memref<16x160x125xi32, #tpu.memory_space<hbm>> -> memref<1x40x125xi32, #tpu.memory_space<hbm>>
        %dma_start3A_83 = tpu.memref_squeeze %dma_start3A_82 : memref<1x40x125xi32, #tpu.memory_space<hbm>> -> memref<40x125xi32, #tpu.memory_space<hbm>>
        tpu.enqueue_dma source(%dma_start3A_83 : memref<40x125xi32, #tpu.memory_space<hbm>>) target(%arg10 : memref<40x125xi32, #tpu.memory_space<vmem>>) target_semaphore(%run_scoped3A : memref<!tpu.dma_semaphore, #tpu.memory_space<semaphore_mem>>)
        %dma_wait3A_84 = arith.constant 0 : i32
        %dma_wait3A_85 = tpu.memref_slice %arg3[%arg1, %mul3A_55, %dma_wait3A_84] : memref<16x160x125xi32, #tpu.memory_space<hbm>> -> memref<1x40x125xi32, #tpu.memory_space<hbm>>
        %dma_wait3A_86 = tpu.memref_squeeze %dma_wait3A_85 : memref<1x40x125xi32, #tpu.memory_space<hbm>> -> memref<40x125xi32, #tpu.memory_space<hbm>>
        %dma_wait3A_87 = arith.constant 0 : i32
        %dma_wait3A_88 = tpu.memref_slice %arg3[%arg1, %mul3A_55, %dma_wait3A_87] : memref<16x160x125xi32, #tpu.memory_space<hbm>> -> memref<1x40x125xi32, #tpu.memory_space<hbm>>
        %dma_wait3A_89 = tpu.memref_squeeze %dma_wait3A_88 : memref<1x40x125xi32, #tpu.memory_space<hbm>> -> memref<40x125xi32, #tpu.memory_space<hbm>>
        tpu.wait_dma2 semaphore(%run_scoped3A : memref<!tpu.dma_semaphore, #tpu.memory_space<semaphore_mem>>) src(%dma_wait3A_89 : memref<40x125xi32, #tpu.memory_space<hbm>>) dst(%arg10 : memref<40x125xi32, #tpu.memory_space<vmem>>)
        tpu.yield
      }) : () -> ()
      %mul3A_56 = arith.constant 40 : i32
      %mul3A_57 = arith.muli %scan3A_52, %mul3A_56 : i32
      "tpu.region"() ({
        %run_scoped3A = tpu.sem_alloc : memref<!tpu.dma_semaphore, #tpu.memory_space<semaphore_mem>>
        %dma_start3A_78 = arith.constant 0 : i32
        %dma_start3A_79 = tpu.memref_slice %arg4[%arg1, %mul3A_57, %dma_start3A_78] : memref<16x160x125xi32, #tpu.memory_space<hbm>> -> memref<1x40x125xi32, #tpu.memory_space<hbm>>
        %dma_start3A_80 = tpu.memref_squeeze %dma_start3A_79 : memref<1x40x125xi32, #tpu.memory_space<hbm>> -> memref<40x125xi32, #tpu.memory_space<hbm>>
        %dma_start3A_81 = arith.constant 0 : i32
        %dma_start3A_82 = tpu.memref_slice %arg4[%arg1, %mul3A_57, %dma_start3A_81] : memref<16x160x125xi32, #tpu.memory_space<hbm>> -> memref<1x40x125xi32, #tpu.memory_space<hbm>>
        %dma_start3A_83 = tpu.memref_squeeze %dma_start3A_82 : memref<1x40x125xi32, #tpu.memory_space<hbm>> -> memref<40x125xi32, #tpu.memory_space<hbm>>
        tpu.enqueue_dma source(%dma_start3A_83 : memref<40x125xi32, #tpu.memory_space<hbm>>) target(%arg11 : memref<40x125xi32, #tpu.memory_space<vmem>>) target_semaphore(%run_scoped3A : memref<!tpu.dma_semaphore, #tpu.memory_space<semaphore_mem>>)
        %dma_wait3A_84 = arith.constant 0 : i32
        %dma_wait3A_85 = tpu.memref_slice %arg4[%arg1, %mul3A_57, %dma_wait3A_84] : memref<16x160x125xi32, #tpu.memory_space<hbm>> -> memref<1x40x125xi32, #tpu.memory_space<hbm>>
        %dma_wait3A_86 = tpu.memref_squeeze %dma_wait3A_85 : memref<1x40x125xi32, #tpu.memory_space<hbm>> -> memref<40x125xi32, #tpu.memory_space<hbm>>
        %dma_wait3A_87 = arith.constant 0 : i32
        %dma_wait3A_88 = tpu.memref_slice %arg4[%arg1, %mul3A_57, %dma_wait3A_87] : memref<16x160x125xi32, #tpu.memory_space<hbm>> -> memref<1x40x125xi32, #tpu.memory_space<hbm>>
        %dma_wait3A_89 = tpu.memref_squeeze %dma_wait3A_88 : memref<1x40x125xi32, #tpu.memory_space<hbm>> -> memref<40x125xi32, #tpu.memory_space<hbm>>
        tpu.wait_dma2 semaphore(%run_scoped3A : memref<!tpu.dma_semaphore, #tpu.memory_space<semaphore_mem>>) src(%dma_wait3A_89 : memref<40x125xi32, #tpu.memory_space<hbm>>) dst(%arg11 : memref<40x125xi32, #tpu.memory_space<vmem>>)
        tpu.yield
      }) : () -> ()
      %dma_start3A = arith.constant 0 : i32
      %dma_start3A_58 = arith.constant 0 : i32
      %dma_start3A_59 = tpu.memref_slice %arg11[%dma_start3A, %dma_start3A_58] : memref<40x125xi32, #tpu.memory_space<vmem>> -> memref<1x125xi32, #tpu.memory_space<vmem>>
      %dma_start3A_60 = tpu.memref_squeeze %dma_start3A_59 : memref<1x125xi32, #tpu.memory_space<vmem>> -> memref<125xi32, #tpu.memory_space<vmem>>
      %dma_start3A_61 = arith.constant 0 : i32
      %dma_start3A_62 = arith.constant 0 : i32
      %dma_start3A_63 = tpu.memref_slice %arg7[%dma_start3A_61, %dma_start3A_62] : memref<5120x64xf32, #tpu.memory_space<vmem_shared>> -> memref<5120x64xf32, #tpu.memory_space<vmem_shared>>
      tpu.enqueue_indirect_dma source(%dma_start3A_63 : memref<5120x64xf32, #tpu.memory_space<vmem_shared>>) target(%arg12 : memref<125x64xf32, #tpu.memory_space<vmem>>) offsets(%dma_start3A_60 : memref<125xi32, #tpu.memory_space<vmem>>) semaphore(%arg15 : memref<!tpu.dma_semaphore, #tpu.memory_space<semaphore_mem>>)
      %scan3A_64 = arith.constant 0 : i32
      %scan3A_65 = arith.constant 0 : i32
      %scan3A_66 = arith.constant 20 : i32
      %scan3A_67 = arith.addi %scan3A_65, %scan3A_66 : i32
      %scan3A_68 = arith.constant 1 : i32
      %scan3A_69 = scf.for %scan3A_78 = %scan3A_65 to %scan3A_67 step %scan3A_68 iter_args(%scan3A_79 = %scan3A_64) -> (i32)  : i32 {
        %mul3A_80 = arith.constant 2 : i32
        %mul3A_81 = arith.muli %mul3A_80, %scan3A_78 : i32
        %add3A = arith.constant 1 : i32
        %add3A_82 = arith.addi %mul3A_81, %add3A : i32
        %dma_wait3A_83 = arith.constant 0 : i32
        %dma_wait3A_84 = tpu.memref_slice %arg11[%mul3A_81, %dma_wait3A_83] : memref<40x125xi32, #tpu.memory_space<vmem>> -> memref<1x125xi32, #tpu.memory_space<vmem>>
        %dma_wait3A_85 = tpu.memref_squeeze %dma_wait3A_84 : memref<1x125xi32, #tpu.memory_space<vmem>> -> memref<125xi32, #tpu.memory_space<vmem>>
        %dma_wait3A_86 = arith.constant 0 : i32
        %dma_wait3A_87 = arith.constant 0 : i32
        %dma_wait3A_88 = tpu.memref_slice %arg7[%dma_wait3A_86, %dma_wait3A_87] : memref<5120x64xf32, #tpu.memory_space<vmem_shared>> -> memref<5120x64xf32, #tpu.memory_space<vmem_shared>>
        tpu.wait_indirect_dma semaphore(%arg15 : memref<!tpu.dma_semaphore, #tpu.memory_space<semaphore_mem>>) src(%dma_wait3A_88 : memref<5120x64xf32, #tpu.memory_space<vmem_shared>>) dst(%arg12 : memref<125x64xf32, #tpu.memory_space<vmem>>)
        %gt3A = arith.constant 0 : i32
        %gt3A_89 = arith.cmpi sgt, %scan3A_78, %gt3A : i32
        %convert_element_type3A = arith.extui %gt3A_89 : i1 to i32
        %cond3A = arith.constant 0 : i32
        %cond3A_90 = arith.cmpi ne, %convert_element_type3A, %cond3A : i32
        scf.if %cond3A_90 {
          %dma_wait3A_126 = arith.constant 0 : i32
          %dma_wait3A_127 = tpu.memref_slice %arg10[%add3A_82, %dma_wait3A_126] : memref<40x125xi32, #tpu.memory_space<vmem>> -> memref<1x125xi32, #tpu.memory_space<vmem>>
          %dma_wait3A_128 = tpu.memref_squeeze %dma_wait3A_127 : memref<1x125xi32, #tpu.memory_space<vmem>> -> memref<125xi32, #tpu.memory_space<vmem>>
          %dma_wait3A_129 = arith.constant 0 : i32
          %dma_wait3A_130 = arith.constant 0 : i32
          %dma_wait3A_131 = tpu.memref_slice %arg8[%dma_wait3A_129, %dma_wait3A_130] : memref<10240x64xf32, #tpu.memory_space<vmem_shared>> -> memref<10240x64xf32, #tpu.memory_space<vmem_shared>>
          tpu.wait_indirect_dma semaphore(%arg18 : memref<!tpu.dma_semaphore, #tpu.memory_space<semaphore_mem>>) src(%arg13 : memref<125x64xf32, #tpu.memory_space<vmem>>) dst(%dma_wait3A_131 : memref<10240x64xf32, #tpu.memory_space<vmem_shared>>)
        } else {
        }
        %dma_start3A_91 = arith.constant 0 : i32
        %dma_start3A_92 = tpu.memref_slice %arg11[%add3A_82, %dma_start3A_91] : memref<40x125xi32, #tpu.memory_space<vmem>> -> memref<1x125xi32, #tpu.memory_space<vmem>>
        %dma_start3A_93 = tpu.memref_squeeze %dma_start3A_92 : memref<1x125xi32, #tpu.memory_space<vmem>> -> memref<125xi32, #tpu.memory_space<vmem>>
        %dma_start3A_94 = arith.constant 0 : i32
        %dma_start3A_95 = arith.constant 0 : i32
        %dma_start3A_96 = tpu.memref_slice %arg7[%dma_start3A_94, %dma_start3A_95] : memref<5120x64xf32, #tpu.memory_space<vmem_shared>> -> memref<5120x64xf32, #tpu.memory_space<vmem_shared>>
        tpu.enqueue_indirect_dma source(%dma_start3A_96 : memref<5120x64xf32, #tpu.memory_space<vmem_shared>>) target(%arg13 : memref<125x64xf32, #tpu.memory_space<vmem>>) offsets(%dma_start3A_93 : memref<125xi32, #tpu.memory_space<vmem>>) semaphore(%arg16 : memref<!tpu.dma_semaphore, #tpu.memory_space<semaphore_mem>>)
        %dma_start3A_97 = arith.constant 0 : i32
        %dma_start3A_98 = tpu.memref_slice %arg10[%mul3A_81, %dma_start3A_97] : memref<40x125xi32, #tpu.memory_space<vmem>> -> memref<1x125xi32, #tpu.memory_space<vmem>>
        %dma_start3A_99 = tpu.memref_squeeze %dma_start3A_98 : memref<1x125xi32, #tpu.memory_space<vmem>> -> memref<125xi32, #tpu.memory_space<vmem>>
        %dma_start3A_100 = arith.constant 0 : i32
        %dma_start3A_101 = arith.constant 0 : i32
        %dma_start3A_102 = tpu.memref_slice %arg8[%dma_start3A_100, %dma_start3A_101] : memref<10240x64xf32, #tpu.memory_space<vmem_shared>> -> memref<10240x64xf32, #tpu.memory_space<vmem_shared>>
        tpu.enqueue_indirect_dma source(%arg12 : memref<125x64xf32, #tpu.memory_space<vmem>>) target(%dma_start3A_102 : memref<10240x64xf32, #tpu.memory_space<vmem_shared>>) offsets(%dma_start3A_99 : memref<125xi32, #tpu.memory_space<vmem>>) semaphore(%arg17 : memref<!tpu.dma_semaphore, #tpu.memory_space<semaphore_mem>>) {add = true}
        %dma_wait3A_103 = arith.constant 0 : i32
        %dma_wait3A_104 = tpu.memref_slice %arg11[%add3A_82, %dma_wait3A_103] : memref<40x125xi32, #tpu.memory_space<vmem>> -> memref<1x125xi32, #tpu.memory_space<vmem>>
        %dma_wait3A_105 = tpu.memref_squeeze %dma_wait3A_104 : memref<1x125xi32, #tpu.memory_space<vmem>> -> memref<125xi32, #tpu.memory_space<vmem>>
        %dma_wait3A_106 = arith.constant 0 : i32
        %dma_wait3A_107 = arith.constant 0 : i32
        %dma_wait3A_108 = tpu.memref_slice %arg7[%dma_wait3A_106, %dma_wait3A_107] : memref<5120x64xf32, #tpu.memory_space<vmem_shared>> -> memref<5120x64xf32, #tpu.memory_space<vmem_shared>>
        tpu.wait_indirect_dma semaphore(%arg16 : memref<!tpu.dma_semaphore, #tpu.memory_space<semaphore_mem>>) src(%dma_wait3A_108 : memref<5120x64xf32, #tpu.memory_space<vmem_shared>>) dst(%arg13 : memref<125x64xf32, #tpu.memory_space<vmem>>)
        %dma_start3A_109 = arith.constant 0 : i32
        %dma_start3A_110 = tpu.memref_slice %arg10[%add3A_82, %dma_start3A_109] : memref<40x125xi32, #tpu.memory_space<vmem>> -> memref<1x125xi32, #tpu.memory_space<vmem>>
        %dma_start3A_111 = tpu.memref_squeeze %dma_start3A_110 : memref<1x125xi32, #tpu.memory_space<vmem>> -> memref<125xi32, #tpu.memory_space<vmem>>
        %dma_start3A_112 = arith.constant 0 : i32
        %dma_start3A_113 = arith.constant 0 : i32
        %dma_start3A_114 = tpu.memref_slice %arg8[%dma_start3A_112, %dma_start3A_113] : memref<10240x64xf32, #tpu.memory_space<vmem_shared>> -> memref<10240x64xf32, #tpu.memory_space<vmem_shared>>
        tpu.enqueue_indirect_dma source(%arg13 : memref<125x64xf32, #tpu.memory_space<vmem>>) target(%dma_start3A_114 : memref<10240x64xf32, #tpu.memory_space<vmem_shared>>) offsets(%dma_start3A_111 : memref<125xi32, #tpu.memory_space<vmem>>) semaphore(%arg18 : memref<!tpu.dma_semaphore, #tpu.memory_space<semaphore_mem>>) {add = true}
        %dma_wait3A_115 = arith.constant 0 : i32
        %dma_wait3A_116 = tpu.memref_slice %arg10[%mul3A_81, %dma_wait3A_115] : memref<40x125xi32, #tpu.memory_space<vmem>> -> memref<1x125xi32, #tpu.memory_space<vmem>>
        %dma_wait3A_117 = tpu.memref_squeeze %dma_wait3A_116 : memref<1x125xi32, #tpu.memory_space<vmem>> -> memref<125xi32, #tpu.memory_space<vmem>>
        %dma_wait3A_118 = arith.constant 0 : i32
        %dma_wait3A_119 = arith.constant 0 : i32
        %dma_wait3A_120 = tpu.memref_slice %arg8[%dma_wait3A_118, %dma_wait3A_119] : memref<10240x64xf32, #tpu.memory_space<vmem_shared>> -> memref<10240x64xf32, #tpu.memory_space<vmem_shared>>
        tpu.wait_indirect_dma semaphore(%arg17 : memref<!tpu.dma_semaphore, #tpu.memory_space<semaphore_mem>>) src(%arg12 : memref<125x64xf32, #tpu.memory_space<vmem>>) dst(%dma_wait3A_120 : memref<10240x64xf32, #tpu.memory_space<vmem_shared>>)
        %lt3A = arith.constant 19 : i32
        %lt3A_121 = arith.cmpi slt, %scan3A_78, %lt3A : i32
        %convert_element_type3A_122 = arith.extui %lt3A_121 : i1 to i32
        %cond3A_123 = arith.constant 0 : i32
        %cond3A_124 = arith.cmpi ne, %convert_element_type3A_122, %cond3A_123 : i32
        scf.if %cond3A_124 {
          %add3A_126 = arith.constant 2 : i32
          %add3A_127 = arith.addi %mul3A_81, %add3A_126 : i32
          %dma_start3A_128 = arith.constant 0 : i32
          %dma_start3A_129 = tpu.memref_slice %arg11[%add3A_127, %dma_start3A_128] : memref<40x125xi32, #tpu.memory_space<vmem>> -> memref<1x125xi32, #tpu.memory_space<vmem>>
          %dma_start3A_130 = tpu.memref_squeeze %dma_start3A_129 : memref<1x125xi32, #tpu.memory_space<vmem>> -> memref<125xi32, #tpu.memory_space<vmem>>
          %dma_start3A_131 = arith.constant 0 : i32
          %dma_start3A_132 = arith.constant 0 : i32
          %dma_start3A_133 = tpu.memref_slice %arg7[%dma_start3A_131, %dma_start3A_132] : memref<5120x64xf32, #tpu.memory_space<vmem_shared>> -> memref<5120x64xf32, #tpu.memory_space<vmem_shared>>
          tpu.enqueue_indirect_dma source(%dma_start3A_133 : memref<5120x64xf32, #tpu.memory_space<vmem_shared>>) target(%arg12 : memref<125x64xf32, #tpu.memory_space<vmem>>) offsets(%dma_start3A_130 : memref<125xi32, #tpu.memory_space<vmem>>) semaphore(%arg15 : memref<!tpu.dma_semaphore, #tpu.memory_space<semaphore_mem>>)
        } else {
        }
        %scan3A_125 = arith.constant 0 : i32
        scf.yield %scan3A_125 : i32
      }
      %scan3A_70 = arith.constant 20 : i32
      %dma_wait3A = arith.constant 39 : i32
      %dma_wait3A_71 = arith.constant 0 : i32
      %dma_wait3A_72 = tpu.memref_slice %arg10[%dma_wait3A, %dma_wait3A_71] : memref<40x125xi32, #tpu.memory_space<vmem>> -> memref<1x125xi32, #tpu.memory_space<vmem>>
      %dma_wait3A_73 = tpu.memref_squeeze %dma_wait3A_72 : memref<1x125xi32, #tpu.memory_space<vmem>> -> memref<125xi32, #tpu.memory_space<vmem>>
      %dma_wait3A_74 = arith.constant 0 : i32
      %dma_wait3A_75 = arith.constant 0 : i32
      %dma_wait3A_76 = tpu.memref_slice %arg8[%dma_wait3A_74, %dma_wait3A_75] : memref<10240x64xf32, #tpu.memory_space<vmem_shared>> -> memref<10240x64xf32, #tpu.memory_space<vmem_shared>>
      tpu.wait_indirect_dma semaphore(%arg18 : memref<!tpu.dma_semaphore, #tpu.memory_space<semaphore_mem>>) src(%arg13 : memref<125x64xf32, #tpu.memory_space<vmem>>) dst(%dma_wait3A_76 : memref<10240x64xf32, #tpu.memory_space<vmem_shared>>)
      %scan3A_77 = arith.constant 0 : i32
      scf.yield %scan3A_77 : i32
    }
    %scan3A_43 = arith.constant 4 : i32
    %barrier3A_44 = arith.constant 0 : index
    tpu.barrier barrier_id(%barrier3A_44)
    %scan3A_45 = arith.constant 0 : i32
    %scan3A_46 = arith.constant 0 : i32
    %scan3A_47 = arith.constant 8 : i32
    %scan3A_48 = arith.addi %scan3A_46, %scan3A_47 : i32
    %scan3A_49 = arith.constant 1 : i32
    %scan3A_50 = scf.for %scan3A_52 = %scan3A_46 to %scan3A_48 step %scan3A_49 iter_args(%scan3A_53 = %scan3A_45) -> (i32)  : i32 {
      %mul3A_54 = arith.constant 640 : i32
      %mul3A_55 = arith.muli %arg1, %mul3A_54 : i32
      %mul3A_56 = arith.constant 80 : i32
      %mul3A_57 = arith.muli %scan3A_52, %mul3A_56 : i32
      %add3A = arith.addi %mul3A_55, %mul3A_57 : i32
      "tpu.region"() ({
        %run_scoped3A = tpu.sem_alloc : memref<!tpu.dma_semaphore, #tpu.memory_space<semaphore_mem>>
        %dma_start3A = arith.constant 0 : i32
        %dma_start3A_64 = tpu.memref_slice %arg8[%add3A, %dma_start3A] : memref<10240x64xf32, #tpu.memory_space<vmem_shared>> -> memref<80x64xf32, #tpu.memory_space<vmem_shared>>
        %dma_start3A_65 = arith.constant 0 : i32
        %dma_start3A_66 = tpu.memref_slice %arg8[%add3A, %dma_start3A_65] : memref<10240x64xf32, #tpu.memory_space<vmem_shared>> -> memref<80x64xf32, #tpu.memory_space<vmem_shared>>
        tpu.enqueue_dma source(%dma_start3A_66 : memref<80x64xf32, #tpu.memory_space<vmem_shared>>) target(%arg9 : memref<80x64xf32, #tpu.memory_space<vmem>>) target_semaphore(%run_scoped3A : memref<!tpu.dma_semaphore, #tpu.memory_space<semaphore_mem>>)
        %dma_wait3A = arith.constant 0 : i32
        %dma_wait3A_67 = tpu.memref_slice %arg8[%add3A, %dma_wait3A] : memref<10240x64xf32, #tpu.memory_space<vmem_shared>> -> memref<80x64xf32, #tpu.memory_space<vmem_shared>>
        %dma_wait3A_68 = arith.constant 0 : i32
        %dma_wait3A_69 = tpu.memref_slice %arg8[%add3A, %dma_wait3A_68] : memref<10240x64xf32, #tpu.memory_space<vmem_shared>> -> memref<80x64xf32, #tpu.memory_space<vmem_shared>>
        tpu.wait_dma2 semaphore(%run_scoped3A : memref<!tpu.dma_semaphore, #tpu.memory_space<semaphore_mem>>) src(%dma_wait3A_69 : memref<80x64xf32, #tpu.memory_space<vmem_shared>>) dst(%arg9 : memref<80x64xf32, #tpu.memory_space<vmem>>)
        tpu.yield
      }) : () -> ()
      %mul3A_58 = arith.constant 640 : i32
      %mul3A_59 = arith.muli %arg1, %mul3A_58 : i32
      %mul3A_60 = arith.constant 80 : i32
      %mul3A_61 = arith.muli %scan3A_52, %mul3A_60 : i32
      %add3A_62 = arith.addi %mul3A_59, %mul3A_61 : i32
      "tpu.region"() ({
        %run_scoped3A = tpu.sem_alloc : memref<!tpu.dma_semaphore, #tpu.memory_space<semaphore_mem>>
        %dma_start3A = arith.constant 0 : i32
        %dma_start3A_64 = tpu.memref_slice %arg6[%arg0, %add3A_62, %dma_start3A] : memref<2x10240x64xf32, #tpu.memory_space<hbm>> -> memref<1x80x64xf32, #tpu.memory_space<hbm>>
        %dma_start3A_65 = tpu.memref_squeeze %dma_start3A_64 : memref<1x80x64xf32, #tpu.memory_space<hbm>> -> memref<80x64xf32, #tpu.memory_space<hbm>>
        %dma_start3A_66 = arith.constant 0 : i32
        %dma_start3A_67 = tpu.memref_slice %arg6[%arg0, %add3A_62, %dma_start3A_66] : memref<2x10240x64xf32, #tpu.memory_space<hbm>> -> memref<1x80x64xf32, #tpu.memory_space<hbm>>
        %dma_start3A_68 = tpu.memref_squeeze %dma_start3A_67 : memref<1x80x64xf32, #tpu.memory_space<hbm>> -> memref<80x64xf32, #tpu.memory_space<hbm>>
        tpu.enqueue_dma source(%arg9 : memref<80x64xf32, #tpu.memory_space<vmem>>) target(%dma_start3A_68 : memref<80x64xf32, #tpu.memory_space<hbm>>) target_semaphore(%run_scoped3A : memref<!tpu.dma_semaphore, #tpu.memory_space<semaphore_mem>>)
        %dma_wait3A = arith.constant 0 : i32
        %dma_wait3A_69 = tpu.memref_slice %arg6[%arg0, %add3A_62, %dma_wait3A] : memref<2x10240x64xf32, #tpu.memory_space<hbm>> -> memref<1x80x64xf32, #tpu.memory_space<hbm>>
        %dma_wait3A_70 = tpu.memref_squeeze %dma_wait3A_69 : memref<1x80x64xf32, #tpu.memory_space<hbm>> -> memref<80x64xf32, #tpu.memory_space<hbm>>
        %dma_wait3A_71 = arith.constant 0 : i32
        %dma_wait3A_72 = tpu.memref_slice %arg6[%arg0, %add3A_62, %dma_wait3A_71] : memref<2x10240x64xf32, #tpu.memory_space<hbm>> -> memref<1x80x64xf32, #tpu.memory_space<hbm>>
        %dma_wait3A_73 = tpu.memref_squeeze %dma_wait3A_72 : memref<1x80x64xf32, #tpu.memory_space<hbm>> -> memref<80x64xf32, #tpu.memory_space<hbm>>
        tpu.wait_dma2 semaphore(%run_scoped3A : memref<!tpu.dma_semaphore, #tpu.memory_space<semaphore_mem>>) src(%arg9 : memref<80x64xf32, #tpu.memory_space<vmem>>) dst(%dma_wait3A_73 : memref<80x64xf32, #tpu.memory_space<hbm>>)
        tpu.yield
      }) : () -> ()
      %scan3A_63 = arith.constant 0 : i32
      scf.yield %scan3A_63 : i32
    }
    %scan3A_51 = arith.constant 8 : i32
    return
  }
}

module attributes {stable_mosaic.version = 14 : i64} {
  func.func @body(%arg0: i32, %arg1: memref<1xf32, #tpu.memory_space<smem>>, %arg2: memref<1xf32, #tpu.memory_space<smem>>, %arg3: memref<2x1000x64xf32, #tpu.memory_space<vmem>>, %arg4: memref<1000x128xf32, #tpu.memory_space<vmem>>, %arg5: memref<1000x1xf32, #tpu.memory_space<vmem>>, %arg6: memref<128x128xf32, #tpu.memory_space<vmem>>, %arg7: memref<1000x128xf32, #tpu.memory_space<vmem>>) attributes {dimension_semantics = [#tpu.dimension_semantics<arbitrary>], iteration_bounds = array<i64: 10>, scalar_prefetch = 0 : i64, scratch_operands = 0 : i64, tpu.core_type = #tpu.core_type<tc>, window_params = [{transform_indices = @transform_0, window_bounds = array<i64: 1>}, {transform_indices = @transform_1, window_bounds = array<i64: 1>}, {transform_indices = @transform_2, window_bounds = array<i64: 2, 1000, 64>}, {transform_indices = @transform_3, window_bounds = array<i64: 1000, 128>}, {transform_indices = @transform_4, window_bounds = array<i64: 1000, 1>}, {pipeline_mode = #tpu.pipeline_mode<synchronous>, transform_indices = @transform_5, window_bounds = array<i64: 128, 128>}, {transform_indices = @transform_6, window_bounds = array<i64: 1000, 128>}]} {
    %get3A = arith.constant 0 : index
    %get3A_0 = memref.load %arg1[%get3A] : memref<1xf32, #tpu.memory_space<smem>>
    %get3A_1 = arith.constant 0 : index
    %get3A_2 = memref.load %arg2[%get3A_1] : memref<1xf32, #tpu.memory_space<smem>>
    %get3A_3 = arith.constant 0 : index
    %get3A_4 = arith.constant 0 : index
    %get3A_5 = arith.constant 0 : index
    %get3A_6 = vector.load %arg3[%get3A_3, %get3A_4, %get3A_5] : memref<2x1000x64xf32, #tpu.memory_space<vmem>>, vector<1x1000x64xf32>
    %get3A_7 = vector.shape_cast %get3A_6 : vector<1x1000x64xf32> to vector<1000x64xf32>
    %get3A_8 = arith.constant 1 : index
    %get3A_9 = arith.constant 0 : index
    %get3A_10 = arith.constant 0 : index
    %get3A_11 = vector.load %arg3[%get3A_8, %get3A_9, %get3A_10] : memref<2x1000x64xf32, #tpu.memory_space<vmem>>, vector<1x1000x64xf32>
    %get3A_12 = vector.shape_cast %get3A_11 : vector<1x1000x64xf32> to vector<1000x64xf32>
    %concatenate3A = tpu.concatenate %get3A_7, %get3A_12 in 1 : vector<1000x64xf32>, vector<1000x64xf32> -> vector<1000x128xf32>
    %get3A_13 = arith.constant 0 : index
    %get3A_14 = arith.constant 0 : index
    %get3A_15 = vector.load %arg5[%get3A_13, %get3A_14] : memref<1000x1xf32, #tpu.memory_space<vmem>>, vector<1000x1xf32>
    %mul3A = vector.broadcast %get3A_15 : vector<1000x1xf32> to vector<1000x128xf32>
    %mul3A_16 = arith.mulf %concatenate3A, %mul3A : vector<1000x128xf32>
    %sub3A = arith.constant 1.000000e+00 : f32
    %sub3A_17 = arith.subf %sub3A, %get3A_0 : f32
    %mul3A_18 = vector.broadcast %sub3A_17 : f32 to vector<1000x128xf32>
    %mul3A_19 = arith.mulf %mul3A_18, %mul3A_16 : vector<1000x128xf32>
    %get3A_20 = arith.constant 0 : index
    %get3A_21 = arith.constant 0 : index
    %get3A_22 = vector.load %arg4[%get3A_20, %get3A_21] : memref<1000x128xf32, #tpu.memory_space<vmem>>, vector<1000x128xf32>
    %mul3A_23 = vector.broadcast %get3A_0 : f32 to vector<1000x128xf32>
    %mul3A_24 = arith.mulf %mul3A_23, %get3A_22 : vector<1000x128xf32>
    %add3A = arith.addf %mul3A_19, %mul3A_24 : vector<1000x128xf32>
    %sub3A_25 = arith.constant 1.000000e+00 : f32
    %sub3A_26 = arith.subf %sub3A_25, %get3A_2 : f32
    %mul3A_27 = vector.broadcast %sub3A_26 : f32 to vector<1000x128xf32>
    %mul3A_28 = arith.mulf %mul3A_27, %add3A : vector<1000x128xf32>
    %get3A_29 = arith.constant 0 : index
    %get3A_30 = arith.constant 0 : index
    %get3A_31 = vector.load %arg6[%get3A_29, %get3A_30] : memref<128x128xf32, #tpu.memory_space<vmem>>, vector<128x128xf32>
    %dot_general3A = arith.constant dense<0.000000e+00> : vector<1000x128xf32>
    %dot_general3A_32 = tpu.matmul %add3A, %get3A_31, %dot_general3A {dimension_numbers = #tpu.dot_dimension_numbers<[1], [1], [0], [0], [0, 0, 1, 0], [], []>, transpose_lhs_hint = false} : vector<1000x128xf32>, vector<128x128xf32>, vector<1000x128xf32> -> vector<1000x128xf32>
    %mul3A_33 = vector.broadcast %get3A_2 : f32 to vector<1000x128xf32>
    %mul3A_34 = arith.mulf %mul3A_33, %dot_general3A_32 : vector<1000x128xf32>
    %add3A_35 = arith.addf %mul3A_28, %mul3A_34 : vector<1000x128xf32>
    %swap3A = arith.constant 0 : index
    %swap3A_36 = arith.constant 0 : index
    %swap3A_37 = vector.load %arg7[%swap3A, %swap3A_36] : memref<1000x128xf32, #tpu.memory_space<vmem>>, vector<1000x128xf32>
    tpu.vector_store %arg7[%swap3A, %swap3A_36], %add3A_35 {strides = array<i32>} : memref<1000x128xf32, #tpu.memory_space<vmem>>, vector<1000x128xf32>,
    return
  }
  func.func @transform_0(%arg0: i32) -> i32 {
    %c0_i32 = arith.constant 0 : i32
    %c0_i32_0 = arith.constant 0 : i32
    return %c0_i32 : i32
  }
  func.func @transform_1(%arg0: i32) -> i32 {
    %c0_i32 = arith.constant 0 : i32
    %c0_i32_0 = arith.constant 0 : i32
    return %c0_i32 : i32
  }
  func.func @transform_2(%arg0: i32) -> (i32, i32, i32) {
    %c0_i32 = arith.constant 0 : i32
    %c0_i32_0 = arith.constant 0 : i32
    %c0_i32_1 = arith.constant 0 : i32
    return %c0_i32, %arg0, %c0_i32_0 : i32, i32, i32
  }
  func.func @transform_3(%arg0: i32) -> (i32, i32) {
    %c0_i32 = arith.constant 0 : i32
    %c0_i32_0 = arith.constant 0 : i32
    return %arg0, %c0_i32 : i32, i32
  }
  func.func @transform_4(%arg0: i32) -> (i32, i32) {
    %c0_i32 = arith.constant 0 : i32
    %c0_i32_0 = arith.constant 0 : i32
    return %arg0, %c0_i32 : i32, i32
  }
  func.func @transform_5(%arg0: i32) -> (i32, i32) {
    %c0_i32 = arith.constant 0 : i32
    %c0_i32_0 = arith.constant 0 : i32
    %c0_i32_1 = arith.constant 0 : i32
    return %c0_i32, %c0_i32_0 : i32, i32
  }
  func.func @transform_6(%arg0: i32) -> (i32, i32) {
    %c0_i32 = arith.constant 0 : i32
    %c0_i32_0 = arith.constant 0 : i32
    return %arg0, %c0_i32 : i32, i32
  }
}

</mosaic_0001>

<sc_bundles>
// kernel: kernel.4.cloned.1.call-start
scs
__scs_entry_jumppad:
0x0: {  	(pc) =	sbr.rel $0x88, $3  }
0x1: {  	(tag) =	ssettag $0x0;
	lr =	simm.s32 $0x1  }
0x2: {  	[smem:$0x3F98] =	sst lr;
	_ =	strace $0xD0000000  }
0x3: {  	_ = 	snop  }
0x4: {  	_ = 	snop  }
0x5: {  	_ = 	snop  }
0x6: {  	_ = 	snop  }
0x7: {  	_ = 	snop  }
__scs_overlays_trampoline_lowered:
0x8: {  	[smem:$0x3FA7] =	sst s0  }
0x9: {  	[smem:$0x3FA8] =	sst s1  }
0xa: {  	[smem:$0x3FA9] =	sst s2  }
0xb: {  	[smem:$0x3FAA] =	sst s3  }
0xc: {  	[smem:$0x3FAB] =	sst s4  }
0xd: {  	[smem:$0x3FAC] =	sst s5  }
0xe: {  	[smem:$0x3FAD] =	sst s6  }
0xf: {  	[smem:$0x3FAE] =	sst s7  }
0x10: {  	[smem:$0x3FAF] =	sst s8  }
0x11: {  	[smem:$0x3FB0] =	sst s9;
	s0 =	simm.s32 @!p0 $0x0  }
0x12: {  	s1 =	sld [smem:$0x3F96];
	s0 =	simm.s32 @p0 $0x1  }
0x13: {  	[smem:$0x3FB1] =	sst s0;
	s0 =	simm.s32 @!p1 $0x0  }
0x14: {  	s2 =	sld [smem:$0x3F95];
	s0 =	simm.s32 @p1 $0x1  }
0x15: {  	[smem:$0x3FB2] =	sst s0;
	s0 =	simm.s32 @!p2 $0x0  }
0x16: {  	s3 =	sld [smem:$0x3FDB];
	s0 =	simm.s32 @p2 $0x1  }
0x17: {  	s4 =	simm.s32 $0x1BF5;
	[smem:$0x3FB4] =	sst s0  }
0x18: {  	s0 =	sld [smem:$0x3F97];
	_ =	swait.ge [sflag:s4], $0x0  }
0x19: {  	s7 =	sld [smem:$0x3F98]  }
0x1a: {  	s8 =	sadd.s32 $0xFFFFE003, lr  }
0x1b: {  	s9 =	sadd.s32 $0xFFFFFEF7, lr;
	s5 =	simm.s32 $0xFFFFFFFF;
	p2 =	slt.u32 s8, $0xFFFFF086  }
0x1c: {  	p1 =	slt.u32 s9, $0xF7A;
	s5 =	simm.s32 @!p2 $0x0  }
0x1d: {  	s5 =	simm.s32 @p1 $0x1;
	p0 =	seq.s32 s7, s2  }
0x1e: {  	s7 =	smul.u32 @!p0 $0xF7A, s2;
	p2 =	seq.s32 @!p0 s5, $0x0  }
0x1f: {  	s9 =	smul.u32 $0xF7A, s1;
	s8 =	simm.s32 @!p0 $0x1BF5;
	p2 =	por !p2, p0  }
0x20: {  	[sflag:s8] =	ssyncset.s32 @!p0 $0xFFFFF086;
	s6 =	sadd.s32 @!p0 s3, s7;
	s7 =	simm.s32 @!p0 $0x108  }
0x21: {  	s3 =	sadd.s32 s3, s9;
	s6 =	sadd.s32 @!p0 $0x88, s6;
	s7 =	simm.s32 @p2 $0x1082  }
0x22: {  	[simem:s7], [sflag:s8] =	dma.local @!p0 [hbm:s6], $0xF7A  }
0x23: {  	s9 =	sor.u32 $0xD0000000, s2;
	s6 =	simm.s32 $0x108;
	_ =	swait.ge @!p0 [sflag:s8], $0x0  }
0x24: {  	s3 =	sadd.s32 $0x88, s3;
	s6 =	simm.s32 @!p1 $0x1082;
	[sflag:s4] =	ssyncset.s32 $0xFFFFF086  }
0x25: {  	[simem:s6], [sflag:s4] =	dma.local [hbm:s3], $0xF7A  }
0x26: {  	[smem:$0x3F98] =	sst s1;
	(tag) =	ssettag s2;
	_ =	strace s9  }
0x27: {  	s1 =	sld [smem:$0x3FA8]  }
0x28: {  	s2 =	sld [smem:$0x3FA9]  }
0x29: {  	s4 =	sld [smem:$0x3FAB]  }
0x2a: {  	p0 =	seq.s32 s5, $0x0;
	s5 =	sld [smem:$0x3FAC]  }
0x2b: {  	s6 =	sld [smem:$0x3FAD]  }
0x2c: {  	s7 =	sld [smem:$0x3FAE]  }
0x2d: {  	s3 =	simm.s32 $0x108;
	s8 =	sld [smem:$0x3FAF]  }
0x2e: {  	s3 =	simm.s32 @!p0 $0x1082;
	s9 =	sld [smem:$0x3FB0]  }
0x2f: {  	lr =	sadd.s32 s0, s3;
	s0 =	sld [smem:$0x3FA7]  }
0x30: {  	s3 =	sld [smem:$0x3FAA]  }
0x31: {  	[smem:$0x3FB3] =	sst s10  }
0x32: {  	s10 =	sld [smem:$0x3FB1];
	_ =	sdelay $0x3  }
0x33: {  	p0 =	seq.s32 s10, $0x1;
	s10 =	sld [smem:$0x3FB3];
	_ =	sdelay $0x3  }
0x34: {  	[smem:$0x3FB3] =	sst s10  }
0x35: {  	s10 =	sld [smem:$0x3FB2];
	_ =	sdelay $0x3  }
0x36: {  	p1 =	seq.s32 s10, $0x1;
	s10 =	sld [smem:$0x3FB3];
	_ =	sdelay $0x3  }
0x37: {  	[smem:$0x3FB3] =	sst s10  }
0x38: {  	s10 =	sld [smem:$0x3FB4]  }
0x39: {  	_ = 	snop;
	(pc) =	sbr.ind lr, $3  }
0x3a: {  	_ = 	snop  }
0x3b: {  	_ = 	snop  }
0x3c: {  	p2 =	seq.s32 s10, $0x1;
	s10 =	sld [smem:$0x3FB3]  }
0x3d: {  	_ =	shalt  }
0x3e: {  	_ =	shalt  }
0x3f: {  	_ =	shalt  }
0x40: {  	_ =	shalt  }
0x41: {  	_ =	shalt  }
0x42: {  	_ =	shalt  }
0x43: {  	_ =	shalt  }
0x44: {  	_ =	shalt  }
0x45: {  	_ =	shalt  }
0x46: {  	_ =	shalt  }
0x47: {  	_ =	shalt  }
0x48: {  	_ =	shalt  }
0x49: {  	_ =	shalt  }
0x4a: {  	_ =	shalt  }
0x4b: {  	_ =	shalt  }
0x4c: {  	_ =	shalt  }
0x4d: {  	_ =	shalt  }
0x4e: {  	_ =	shalt  }
0x4f: {  	_ =	shalt  }
0x50: {  	_ =	shalt  }
0x51: {  	_ =	shalt  }
0x52: {  	_ =	shalt  }
0x53: {  	_ =	shalt  }
0x54: {  	_ =	shalt  }
0x55: {  	_ =	shalt  }
0x56: {  	_ =	shalt  }
0x57: {  	_ =	shalt  }
0x58: {  	_ =	shalt  }
0x59: {  	_ =	shalt  }
0x5a: {  	_ =	shalt  }
0x5b: {  	_ =	shalt  }
0x5c: {  	_ =	shalt  }
0x5d: {  	_ =	shalt  }
0x5e: {  	_ =	shalt  }
0x5f: {  	_ =	shalt  }
0x60: {  	_ =	shalt  }
0x61: {  	_ =	shalt  }
0x62: {  	_ =	shalt  }
0x63: {  	_ =	shalt  }
0x64: {  	_ =	shalt  }
0x65: {  	_ =	shalt  }
0x66: {  	_ =	shalt  }
0x67: {  	_ =	shalt  }
0x68: {  	_ =	shalt  }
0x69: {  	_ =	shalt  }
0x6a: {  	_ =	shalt  }
0x6b: {  	_ =	shalt  }
0x6c: {  	_ =	shalt  }
0x6d: {  	_ =	shalt  }
0x6e: {  	_ =	shalt  }
0x6f: {  	_ =	shalt  }
0x70: {  	_ =	shalt  }
0x71: {  	_ =	shalt  }
0x72: {  	_ =	shalt  }
0x73: {  	_ =	shalt  }
0x74: {  	_ =	shalt  }
0x75: {  	_ =	shalt  }
0x76: {  	_ =	shalt  }
0x77: {  	_ =	shalt  }
0x78: {  	_ =	shalt  }
0x79: {  	_ =	shalt  }
0x7a: {  	_ =	shalt  }
0x7b: {  	_ =	shalt  }
0x7c: {  	_ =	shalt  }
0x7d: {  	_ =	shalt  }
0x7e: {  	_ =	shalt  }
0x7f: {  	_ =	shalt  }
0x80: {  	_ =	shalt  }
0x81: {  	_ =	shalt  }
0x82: {  	_ =	shalt  }
0x83: {  	_ =	shalt  }
0x84: {  	_ =	shalt  }
0x85: {  	_ =	shalt  }
0x86: {  	_ =	shalt  }
0x87: {  	_ =	shalt  }
.Lfunc_end0:
.L_simem_size_0:
called_computation_lowered:
.L_overlay_start_0:
0x88: {  	s2 =	sld [smem:$0x3FD9]  }
0x89: {  	s3 =	sld [smem:$0x3FFE];
	_ =	sdelay $0x1  }
0x8a: {  	s1 =	srdreg.scid  }
0x8b: {  	s0 =	sand.u32 $0x1, s1  }
0x8c: {  	s17 =	sshll.u32 s0, $0xA;
	s2 =	sadd.s32 s3, s2  }
0x8d: {  	s2 =	sadd.s32 s2, s17  }
0x8e: {  	[smem:$0x3FBF] =	sst s2  }
0x8f: {  	_ = 	snop  }
0x90: {  	s2 =	sld [smem:$0x3FD0];
	(tm) =	ssettm $0x1  }
0x91: {  	s18 =	sld [smem:$0x3FFB];
	_ =	sdelay $0x3  }
0x92: {  	_ =	strace s18  }
0x93: {  	s3 =	sld [smem:$0x3FFC];
	_ =	sdelay $0x3  }
0x94: {  	_ =	strace s3  }
0x95: {  	s3 =	sld [smem:$0x3FFD];
	_ =	sdelay $0x3  }
0x96: {  	_ =	strace s3  }
0x97: {  	_ =	strace $0x8FFFFFFF  }
0x98: {  	s19 =	sld [smem:$0x3FDB];
	_ =	sdelay $0x1  }
0x99: {  	s4 =	simm.s32 $_scs_section_size  }
0x9a: {  	s5 =	simm.s32 $_size__tile_overlayer_lowered;
	s6 =	simm.s32 $_tile_overlayer_lowered  }
0x9b: {  	s22 =	simm.s32 $0x1BFF;
	s21 =	sshll.u32 s6, $0x1;
	s3 =	sadd.s32 s4, s19  }
0x9c: {  	s7 =	simm.s32 $0x0;
	s20 =	sshll.u32 s5, $0x1;
	s5 =	sadd.s32 s21, s3  }
0x9d: {  	[timem:s7], [sflag:s22] =	dma.local [hbm:s5], s20  }
0x9e: {  	_ =	swait.ge [sflag:s22], s20  }
0x9f: {  	s4 =	ssub.s32 $0x0, s20;
	[sflag:s22] =	ssyncset.done $0x0  }
0xa0: {  	[sflag:s22] =	ssyncadd.s32 s4;
	_ =	sdelay $0x1  }
0xa1: {  	s23 =	simm.s32 $0x1B8B  }
0xa2: {  	_ =	swait.ge [sflag:s23], $0x1  }
0xa3: {  	[sflag:s23] =	ssyncset.done $0x0  }
0xa4: {  	s25 =	simm.s32 $0x1B8E;
	s24 =	sld [smem:$0x3FFE];
	[sflag:s23] =	ssyncadd.s32 $0xFFFFFFFF  }
0xa5: {  	s26 =	simm.s32 $execute0_lowered;
	[smem:$0x3FD2] =	sst s25  }
0xa6: {  	s5 =	sshll.u32 s26, $0x1;
	_ =	strace $0x80000046;
	[dreg:$0x1] =	wrdreg $0xFFFFFFFF  }
0xa7: {  	s28 =	simm.s32 $_size_execute0_lowered;
	s3 =	sadd.s32 s3, s5;
	[dreg:$0x0] =	wrdreg $0x0  }
0xa8: {  	s5 =	sshll.u32 s28, $0x1;
	[dreg:$0x2] =	wrdreg s3  }
0xa9: {  	[dreg:$0x3] =	wrdreg s5  }
0xaa: {  	[dreg:$0x4] =	wrdreg $0xC0  }
0xab: {  	_ =	task [dreg:s7], $0x5FFFF  }
0xac: {  	[dreg:$0x1] =	wrdreg $0xFFFFFFFF  }
0xad: {  	[dreg:$0x0] =	wrdreg $0x60  }
0xae: {  	[dreg:$0x2] =	wrdreg s24  }
0xaf: {  	[dreg:$0x3] =	wrdreg s2  }
0xb0: {  	[dreg:$0x4] =	wrdreg $0x0  }
0xb1: {  	[dreg:$0x5] =	wrdreg $0x50000  }
0xb2: {  	[dreg:$0x6] =	wrdreg $0x9  }
0xb3: {  	_ =	task.clear_ibuf [dreg:s7], $0x7FFFF;
	_ =	strace $0x90000046  }
0xb4: {  	s29 =	simm.s32 $0x9;
	_ =	strace $0x80000048  }
0xb5: {  	_ =	swait.ge [sflag:s29], $0x1  }
0xb6: {  	[sflag:s29] =	ssyncadd.s32 $0xFFFFFFFF  }
0xb7: {  	_ =	strace $0x90000048  }
0xb8: {  	_ =	sfence  }
0xb9: {  	s30 =	sld [smem:$0x0];
	_ =	sdelay $0x2  }
0xba: {  	s31 =	sshll.u32 s1, $0xD;
	s1 =	sshrl.u32 s1, $0x2  }
0xbb: {  	s3 =	sand.u32 $0x4000, s31;
	s1 =	sadd.s32 s1, s30  }
0xbc: {  	s0 =	sor.u32 s3, s0;
	s1 =	sshll.u32 s1, $0x11  }
0xbd: {  	s0 =	sor.u32 s1, s0  }
0xbe: {  	s0 =	sadd.s32 $0x8F2B, s0  }
0xbf: {  	[sflag:s0] =	ssyncadd.remote.s32 $0x1  }
0xc0: {  	_ =	sfence.sel $0xFFFF  }
0xc1: {  	[dreg:$0x0] =	wrdreg $0xFFFFFFFF;
	(pc) =	sbr.abs _section_cstart, $3  }
0xc2: {  	[dreg:$0x1] =	wrdreg $0xFFFFFFFF  }
0xc3: {  	_ =	task.clear_ibuf [dreg:s7], $0x2FFFF;
	_ =	strace $0x9FFFFFFF  }
0xc4: {  	(tm) =	ssettm $0x7FFFFFFF  }
0xc5: {  	_ =	shalt  }
tec
execute0_lowered:
.L_overlay_start_1:
0x0: {  	(tag) =	ssettag $0x1  }
0x1: {  	s0 =	rddreg [dreg:$0x0]  }
0x2: {  	s1 =	rddreg [dreg:$0x1]  }
0x3: {  	s2 =	rddreg [dreg:$0x2]  }
0x4: {  	s3 =	rddreg [dreg:$0x3];
	s20 =	stileid.u32  }
0x5: {  	s4 =	srdreg.scid;
	s5 =	simm.s32 $0x0;
	s9 =	smul.u32 $0xA000, s20  }
0x6: {  	s31 =	simm.s32 $0x10500;
	s4 =	sand.u32 $0x1, s4;
	s30 =	smul.u32 $0x5000, s20  }
0x7: {  	[smem:$0x7FF] =	sst s5;
	s6 =	smul.u32 $0x14000, s4;
	s7 =	ssub.s32 $0x2, s4  }
0x8: {  	s10 =	sadd.s32 $0x33A00, s0;
	s4 =	smul.u32 $0xA0000, s4;
	s8 =	sshrl.u32 s7, $0x1  }
0x9: {  	s11 =	sadd.s32 $0x2800, s9;
	s13 =	sadd.s32 $0x3C00, s9;
	s14 =	sadd.s32 $0x5000, s9  }
0xa: {  	s16 =	sadd.s32 $0x6400, s9;
	s18 =	sadd.s32 $0x7800, s9;
	s19 =	sadd.s32 $0x8C00, s9  }
0xb: {  	s7 =	ssub.s32 s7, s8;
	s8 =	sor.u32 $0x1400, s9;
	s12 =	sadd.s32 s4, s9  }
0xc: {  	s17 =	sadd.s32 s4, s11;
	s24 =	sadd.s32 s4, s13;
	s25 =	sadd.s32 s4, s14  }
0xd: {  	s26 =	sadd.s32 s4, s16;
	s21 =	sadd.s32 s4, s18;
	s28 =	sadd.s32 s13, s3  }
0xe: {  	s29 =	sadd.s32 s14, s3;
	s16 =	sadd.s32 s16, s3;
	s18 =	sadd.s32 s18, s3  }
0xf: {  	s13 =	simm.s32 $0x1;
	s14 =	simm.s32 $0x10480;
	s15 =	sadd.s32 s4, s8  }
0x10: {  	s12 =	sshrl.u32 s12, $0x3;
	s23 =	sshrl.u32 s17, $0x3;
	s17 =	sshrl.u32 s26, $0x3  }
0x11: {  	s4 =	sadd.s32 s4, s19;
	s15 =	sshrl.u32 s15, $0x3;
	s12 =	sadd.s32 s10, s12  }
0x12: {  	s26 =	smul.u32 $0x28000, s20;
	[dreg:$0x5] =	wrdreg s12;
	s22 =	sadd.s32 s10, s15  }
0x13: {  	s4 =	sshrl.u32 s4, $0x3;
	s12 =	sadd.s32 s10, s23;
	[dreg:$0x6] =	wrdreg s22  }
0x14: {  	s15 =	sshrl.u32 s25, $0x3;
	s4 =	sadd.s32 s10, s4;
	[dreg:$0x7] =	wrdreg s12  }
0x15: {  	s12 =	sshrl.u32 s24, $0x3;
	s15 =	sadd.s32 s10, s15;
	[dreg:$0xc] =	wrdreg s4  }
0x16: {  	s22 =	sshrl.u32 s21, $0x3;
	s12 =	sadd.s32 s10, s12;
	[dreg:$0x9] =	wrdreg s15  }
0x17: {  	s23 =	sadd.s32 s6, s0;
	s15 =	sadd.s32 s10, s22;
	[dreg:$0x8] =	wrdreg s12  }
0x18: {  	s25 =	smul.u32 $0x14000, s20;
	s12 =	sadd.s32 s10, s17;
	[dreg:$0xb] =	wrdreg s15  }
0x19: {  	s21 =	sadd.s32 s19, s3;
	s19 =	simm.s32 $0x11880;
	[dreg:$0xa] =	wrdreg s12  }
0x1a: {  	s15 =	sadd.s32 $0x29600, s0;
	_ =	strace $0x80000047;
	[dreg:$0x15] =	wrdreg s16  }
0x1b: {  	s17 =	sadd.s32 $0x1600, s23;
	s10 =	sshrl.u32 s25, $0x2;
	[dreg:$0x16] =	wrdreg s18  }
0x1c: {  	s25 =	sadd.s32 s8, s3;
	s4 =	sadd.s32 s10, s2;
	[dreg:$0x17] =	wrdreg s21  }
0x1d: {  	s8 =	simm.s32 $0x10400;
	s12 =	smul.u32 $0x140, s20;
	[dreg:$0x10] =	wrdreg s4  }
0x1e: {  	s10 =	simm.s32 $0x7D;
	s20 =	simm.s32 $0x0;
	[dreg:$0x12] =	wrdreg s25  }
0x1f: {  	s22 =	sadd.s32 $0x1400, s4;
	s23 =	sadd.s32 $0x2800, s4;
	[dreg:$0x13] =	wrdreg s28  }
0x20: {  	s16 =	simm.s32 $0x14B40;
	s18 =	simm.s32 $0x2;
	[dreg:$0x14] =	wrdreg s29  }
0x21: {  	s21 =	simm.s32 $0x3;
	s24 =	sshrl.u32 s12, $0x3;
	[dreg:$0x18] =	wrdreg s22  }
0x22: {  	[dreg:$0x19] =	wrdreg s23;
	s6 =	sadd.s32 s24, s0;
	s0 =	sshrl.u32 s26, $0x2  }
0x23: {  	s26 =	sadd.s32 s11, s3;
	s24 =	sadd.s32 $0x3C00, s4;
	s11 =	simm.s32 $0x12C00  }
.Ltmp0:
0x24: {  	s6 =	sadd.s32 $0x33600, s6;
	[dreg:$0x1a] =	wrdreg s24;
	(pc) =	sbr.rel .LBB2_1-.Ltmp0, $4  }
0x25: {  	s4 =	simm.s32 $0x11900;
	s0 =	sadd.s32 s0, s3;
	[dreg:$0xd] =	wrdreg s6  }
0x26: {  	s6 =	sadd.s32 s9, s3;
	s9 =	smax.u32 s7, $0x1;
	[dreg:$0x11] =	wrdreg s0  }
0x27: {  	s7 =	simm.s32 $0x5;
	s0 =	simm.s32 $0x4;
	[dreg:$0xe] =	wrdreg s6  }
0x28: {  	v0 =	vimm.f32 $0.0e+00;
	[dreg:$0xf] =	wrdreg s9;
	s6 =	simm.s32 $0xF000;
	s9 =	simm.s32 $0x11800  }
.LBB2_17:
0x29: {  	[bflag:$0x0] =	sbarrier.arrive $0xFFFF  }
0x2a: {  	s22 =	rddreg [dreg:$0xe]  }
0x2b: {  	[tilespmem:s6], [sflag:$0x5] =	stream.linear.gather [spmem:s22], $0x1400, $0x38;
	[tilespmem:$0x16BC0] =	vst v63  }
0x2c: {  	_ =	swait.ge [sflag:s7], $0x1400  }
0x2d: {  	[sflag:s7] =	ssyncset.done $0x0  }
0x2e: {  	s23 =	rddreg [dreg:$0x5];
	[sflag:s7] =	ssyncadd.s32 $0xFFFFEC00  }
0x2f: {  	[hbm4b:s23+s5] =	stream.linear.scatter [tilespmem:s6], [sflag:$0x5], $0x1400, $0x38;
	[tilespmem:$0x16BC0] =	vst v63  }
0x30: {  	_ =	swait.ge [sflag:s7], $0x1400  }
0x31: {  	[sflag:s7] =	ssyncset.done $0x0  }
0x32: {  	s25 =	rddreg [dreg:$0x12];
	[sflag:s7] =	ssyncadd.s32 $0xFFFFEC00  }
0x33: {  	[tilespmem:s6], [sflag:$0x5] =	stream.linear.gather [spmem:s25], $0x1400, $0x38;
	[tilespmem:$0x16BC0] =	vst v63  }
0x34: {  	_ =	swait.ge [sflag:s7], $0x1400  }
0x35: {  	[sflag:s7] =	ssyncset.done $0x0  }
0x36: {  	s24 =	rddreg [dreg:$0x6];
	[sflag:s7] =	ssyncadd.s32 $0xFFFFEC00  }
0x37: {  	[hbm4b:s24+s5] =	stream.linear.scatter [tilespmem:s6], [sflag:$0x5], $0x1400, $0x38;
	[tilespmem:$0x16BC0] =	vst v63  }
0x38: {  	_ =	swait.ge [sflag:s7], $0x1400  }
0x39: {  	[sflag:s7] =	ssyncset.done $0x0  }
0x3a: {  	[sflag:s7] =	ssyncadd.s32 $0xFFFFEC00  }
0x3b: {  	[tilespmem:s6], [sflag:$0x5] =	stream.linear.gather [spmem:s26], $0x1400, $0x38;
	[tilespmem:$0x16BC0] =	vst v63  }
0x3c: {  	_ =	swait.ge [sflag:s7], $0x1400  }
0x3d: {  	[sflag:s7] =	ssyncset.done $0x0  }
0x3e: {  	s23 =	rddreg [dreg:$0x7];
	[sflag:s7] =	ssyncadd.s32 $0xFFFFEC00  }
0x3f: {  	[hbm4b:s23+s5] =	stream.linear.scatter [tilespmem:s6], [sflag:$0x5], $0x1400, $0x38;
	[tilespmem:$0x16BC0] =	vst v63  }
0x40: {  	_ =	swait.ge [sflag:s7], $0x1400  }
0x41: {  	[sflag:s7] =	ssyncset.done $0x0  }
0x42: {  	[sflag:s7] =	ssyncadd.s32 $0xFFFFEC00  }
0x43: {  	[tilespmem:s6], [sflag:$0x5] =	stream.linear.gather [spmem:s28], $0x1400, $0x38;
	[tilespmem:$0x16BC0] =	vst v63  }
0x44: {  	_ =	swait.ge [sflag:s7], $0x1400  }
0x45: {  	[sflag:s7] =	ssyncset.done $0x0  }
0x46: {  	s24 =	rddreg [dreg:$0x8];
	[sflag:s7] =	ssyncadd.s32 $0xFFFFEC00  }
0x47: {  	[hbm4b:s24+s5] =	stream.linear.scatter [tilespmem:s6], [sflag:$0x5], $0x1400, $0x38;
	[tilespmem:$0x16BC0] =	vst v63  }
0x48: {  	_ =	swait.ge [sflag:s7], $0x1400  }
0x49: {  	[sflag:s7] =	ssyncset.done $0x0  }
0x4a: {  	[sflag:s7] =	ssyncadd.s32 $0xFFFFEC00  }
0x4b: {  	[tilespmem:s6], [sflag:$0x5] =	stream.linear.gather [spmem:s29], $0x1400, $0x38;
	[tilespmem:$0x16BC0] =	vst v63  }
0x4c: {  	_ =	swait.ge [sflag:s7], $0x1400  }
0x4d: {  	[sflag:s7] =	ssyncset.done $0x0  }
0x4e: {  	s23 =	rddreg [dreg:$0x9];
	[sflag:s7] =	ssyncadd.s32 $0xFFFFEC00  }
0x4f: {  	[hbm4b:s23+s5] =	stream.linear.scatter [tilespmem:s6], [sflag:$0x5], $0x1400, $0x38;
	[tilespmem:$0x16BC0] =	vst v63  }
0x50: {  	_ =	swait.ge [sflag:s7], $0x1400  }
0x51: {  	[sflag:s7] =	ssyncset.done $0x0  }
0x52: {  	s24 =	rddreg [dreg:$0x15];
	[sflag:s7] =	ssyncadd.s32 $0xFFFFEC00  }
0x53: {  	[tilespmem:s6], [sflag:$0x5] =	stream.linear.gather [spmem:s24], $0x1400, $0x38;
	[tilespmem:$0x16BC0] =	vst v63  }
0x54: {  	_ =	swait.ge [sflag:s7], $0x1400  }
0x55: {  	[sflag:s7] =	ssyncset.done $0x0  }
0x56: {  	s23 =	rddreg [dreg:$0xa];
	[sflag:s7] =	ssyncadd.s32 $0xFFFFEC00  }
0x57: {  	[hbm4b:s23+s5] =	stream.linear.scatter [tilespmem:s6], [sflag:$0x5], $0x1400, $0x38;
	[tilespmem:$0x16BC0] =	vst v63  }
0x58: {  	_ =	swait.ge [sflag:s7], $0x1400  }
0x59: {  	[sflag:s7] =	ssyncset.done $0x0  }
0x5a: {  	s24 =	rddreg [dreg:$0x16];
	[sflag:s7] =	ssyncadd.s32 $0xFFFFEC00  }
0x5b: {  	[tilespmem:s6], [sflag:$0x5] =	stream.linear.gather [spmem:s24], $0x1400, $0x38;
	[tilespmem:$0x16BC0] =	vst v63  }
0x5c: {  	_ =	swait.ge [sflag:s7], $0x1400  }
0x5d: {  	[sflag:s7] =	ssyncset.done $0x0  }
0x5e: {  	s23 =	rddreg [dreg:$0xb];
	[sflag:s7] =	ssyncadd.s32 $0xFFFFEC00  }
0x5f: {  	[hbm4b:s23+s5] =	stream.linear.scatter [tilespmem:s6], [sflag:$0x5], $0x1400, $0x38;
	[tilespmem:$0x16BC0] =	vst v63  }
0x60: {  	_ =	swait.ge [sflag:s7], $0x1400  }
0x61: {  	[sflag:s7] =	ssyncset.done $0x0  }
0x62: {  	s24 =	rddreg [dreg:$0x17];
	[sflag:s7] =	ssyncadd.s32 $0xFFFFEC00  }
0x63: {  	[tilespmem:s6], [sflag:$0x5] =	stream.linear.gather [spmem:s24], $0x1400, $0x38;
	[tilespmem:$0x16BC0] =	vst v63  }
0x64: {  	_ =	swait.ge [sflag:s7], $0x1400  }
0x65: {  	[sflag:s7] =	ssyncset.done $0x0  }
0x66: {  	s23 =	rddreg [dreg:$0xc];
	[sflag:s7] =	ssyncadd.s32 $0xFFFFEC00  }
0x67: {  	[hbm4b:s23+s5] =	stream.linear.scatter [tilespmem:s6], [sflag:$0x5], $0x1400, $0x38;
	[tilespmem:$0x16BC0] =	vst v63  }
0x68: {  	_ =	swait.ge [sflag:s7], $0x1400  }
0x69: {  	s20 =	sadd.s32 $0x1, s20;
	s24 =	rddreg [dreg:$0xf]  }
0x6a: {  	p0 =	sne.s32 s20, s24  }
.Ltmp1:
0x6b: {  	_ = 	snop;
	(pc) =	sbr.rel @!p0 .LBB2_18-.Ltmp1, $3  }
0x6c: {  	_ =	sdelay $0x1  }
0x6d: {  	[sflag:s7] =	ssyncset.done $0x0  }
0x6e: {  	[sflag:s7] =	ssyncadd.s32 $0xFFFFEC00  }
.LBB2_1:
0x6f: {  	s23 =	simm.s32 $0x100;
	s22 =	simm.s32 $0x0  }
.LBB2_2:
0x70: {  	p0 =	sne.s32 s23, $0x4F00;
	[tilespmem:s22+$0xF030] =	vst v0;
	s24 =	smov.u32 s23;
	s23 =	sadd.s32 $0x100, s23  }
.Ltmp2:
0x71: {  	[tilespmem:s22+$0xF020] =	vst v0;
	(pc) =	sbr.rel @p0 .LBB2_2-.Ltmp2, $3  }
0x72: {  	[tilespmem:s22+$0xF000] =	vst v0  }
0x73: {  	[tilespmem:s22+$0xF010] =	vst v0;
	_ =	sdelay $0x1  }
0x74: {  	s22 =	sshra.s32 s24, $0x2  }
0x75: {  	[tilespmem:s22+$0xF030] =	vst v0  }
0x76: {  	[tilespmem:s22+$0xF020] =	vst v0  }
0x77: {  	[tilespmem:s22+$0xF000] =	vst v0  }
0x78: {  	[tilespmem:s22+$0xF010] =	vst v0;
	s24 =	rddreg [dreg:$0x10]  }
0x79: {  	[spmem:s24] =	stream.linear.scatter [tilespmem:s6], [sflag:$0x5], $0x1400, $0x38;
	[tilespmem:$0x16BC0] =	vst v63  }
0x7a: {  	_ =	swait.ge [sflag:s7], $0x1400  }
0x7b: {  	[sflag:s7] =	ssyncset.done $0x0  }
0x7c: {  	s23 =	rddreg [dreg:$0x18];
	[sflag:s7] =	ssyncadd.s32 $0xFFFFEC00  }
0x7d: {  	[spmem:s23] =	stream.linear.scatter [tilespmem:s6], [sflag:$0x5], $0x1400, $0x38;
	[tilespmem:$0x16BC0] =	vst v63  }
0x7e: {  	_ =	swait.ge [sflag:s7], $0x1400  }
0x7f: {  	[sflag:s7] =	ssyncset.done $0x0  }
0x80: {  	s24 =	rddreg [dreg:$0x19];
	[sflag:s7] =	ssyncadd.s32 $0xFFFFEC00  }
0x81: {  	[spmem:s24] =	stream.linear.scatter [tilespmem:s6], [sflag:$0x5], $0x1400, $0x38;
	[tilespmem:$0x16BC0] =	vst v63  }
0x82: {  	_ =	swait.ge [sflag:s7], $0x1400  }
0x83: {  	[sflag:s7] =	ssyncset.done $0x0  }
0x84: {  	s23 =	rddreg [dreg:$0x1a];
	[sflag:s7] =	ssyncadd.s32 $0xFFFFEC00  }
0x85: {  	[spmem:s23] =	stream.linear.scatter [tilespmem:s6], [sflag:$0x5], $0x1400, $0x38;
	[tilespmem:$0x16BC0] =	vst v63  }
0x86: {  	_ =	swait.ge [sflag:s7], $0x1400  }
0x87: {  	[sflag:s7] =	ssyncset.done $0x0  }
0x88: {  	s24 =	rddreg [dreg:$0x11];
	[sflag:s7] =	ssyncadd.s32 $0xFFFFEC00  }
0x89: {  	[spmem:s24] =	stream.linear.scatter [tilespmem:s6], [sflag:$0x5], $0x1400, $0x38;
	[tilespmem:$0x16BC0] =	vst v63  }
0x8a: {  	_ =	swait.ge [sflag:s7], $0x1400  }
0x8b: {  	[sflag:s7] =	ssyncset.done $0x0  }
0x8c: {  	[sflag:s7] =	ssyncadd.s32 $0xFFFFEC00  }
0x8d: {  	[spmem:s25] =	stream.linear.scatter [tilespmem:s6], [sflag:$0x5], $0x1400, $0x38;
	[tilespmem:$0x16BC0] =	vst v63  }
0x8e: {  	_ =	swait.ge [sflag:s7], $0x1400  }
0x8f: {  	[sflag:s7] =	ssyncset.done $0x0  }
0x90: {  	[sflag:s7] =	ssyncadd.s32 $0xFFFFEC00  }
0x91: {  	[spmem:s26] =	stream.linear.scatter [tilespmem:s6], [sflag:$0x5], $0x1400, $0x38;
	[tilespmem:$0x16BC0] =	vst v63  }
0x92: {  	_ =	swait.ge [sflag:s7], $0x1400  }
0x93: {  	[sflag:s7] =	ssyncset.done $0x0  }
0x94: {  	[sflag:s7] =	ssyncadd.s32 $0xFFFFEC00  }
0x95: {  	[spmem:s28] =	stream.linear.scatter [tilespmem:s6], [sflag:$0x5], $0x1400, $0x38;
	[tilespmem:$0x16BC0] =	vst v63  }
0x96: {  	_ =	swait.ge [sflag:s7], $0x1400  }
0x97: {  	[sflag:s7] =	ssyncset.done $0x0  }
0x98: {  	[sflag:s7] =	ssyncadd.s32 $0xFFFFEC00  }
0x99: {  	[spmem:s29] =	stream.linear.scatter [tilespmem:s6], [sflag:$0x5], $0x1400, $0x38;
	[tilespmem:$0x16BC0] =	vst v63  }
0x9a: {  	_ =	swait.ge [sflag:s7], $0x1400  }
0x9b: {  	[sflag:s7] =	ssyncset.done $0x0  }
0x9c: {  	s25 =	rddreg [dreg:$0x15];
	[sflag:s7] =	ssyncadd.s32 $0xFFFFEC00  }
0x9d: {  	[spmem:s25] =	stream.linear.scatter [tilespmem:s6], [sflag:$0x5], $0x1400, $0x38;
	[tilespmem:$0x16BC0] =	vst v63  }
0x9e: {  	_ =	swait.ge [sflag:s7], $0x1400  }
0x9f: {  	[sflag:s7] =	ssyncset.done $0x0  }
0xa0: {  	s28 =	rddreg [dreg:$0x16];
	[sflag:s7] =	ssyncadd.s32 $0xFFFFEC00  }
0xa1: {  	[spmem:s28] =	stream.linear.scatter [tilespmem:s6], [sflag:$0x5], $0x1400, $0x38;
	[tilespmem:$0x16BC0] =	vst v63  }
0xa2: {  	_ =	swait.ge [sflag:s7], $0x1400  }
0xa3: {  	[sflag:s7] =	ssyncset.done $0x0  }
0xa4: {  	s29 =	rddreg [dreg:$0x17];
	[sflag:s7] =	ssyncadd.s32 $0xFFFFEC00  }
0xa5: {  	[spmem:s29] =	stream.linear.scatter [tilespmem:s6], [sflag:$0x5], $0x1400, $0x38;
	[tilespmem:$0x16BC0] =	vst v63  }
0xa6: {  	_ =	swait.ge [sflag:s7], $0x1400  }
0xa7: {  	s22 =	simm.s32 $0x0;
	[sflag:s7] =	ssyncset.done $0x0  }
0xa8: {  	s24 =	simm.s32 $0x16A80;
	s23 =	rddreg [dreg:$0xd];
	[sflag:s7] =	ssyncadd.s32 $0xFFFFEC00  }
0xa9: {  	[tilespmem:s24], [sflag:$0x5] =	stream.linear.gather [hbm4b:s23+s22], $0x140, $0x38;
	[tilespmem:$0x16BC0] =	vst v63  }
.Ltmp3:
0xaa: {  	_ =	swait.ge [sflag:s7], $0x140;
	(pc) =	sbr.rel .LBB2_4-.Ltmp3, $3  }
0xab: {  	[sflag:s7] =	ssyncset.done $0x0  }
0xac: {  	[sflag:s7] =	ssyncadd.s32 $0xFFFFFEC0  }
0xad: {  	[bflag:$0x0] =	sbarrier.arrive $0xFFFF;
	_ =	sdelay $0x1  }
.LBB2_7:
0xae: {  	s22 =	sadd.s32 $0x1, s22  }
0xaf: {  	p0 =	sne.s32 s22, $0x4  }
.Ltmp4:
0xb0: {  	_ = 	snop;
	(pc) =	sbr.rel @!p0 .LBB2_8-.Ltmp4, $4  }
0xb1: {  	_ = 	snop  }
0xb2: {  	_ =	swait.ge [sflag:s0], $0x1F40  }
0xb3: {  	[sflag:s0] =	ssyncset.done $0x0  }
0xb4: {  	[sflag:s0] =	ssyncadd.s32 $0xFFFFE0C0  }
.LBB2_4:
0xb5: {  	s23 =	smul.u32 $0x1400, s22;
	_ =	sdelay $0x1  }
0xb6: {  	s23 =	sadd.s32 s30, s23  }
0xb7: {  	s23 =	sshrl.u32 s23, $0x3  }
0xb8: {  	s24 =	sadd.s32 s1, s23  }
0xb9: {  	[tilespmem:s8], [sflag:$0x5] =	stream.linear.gather [hbm4b:s24+s5], $0x1400, $0x38;
	[tilespmem:$0x16BC0] =	vst v63  }
0xba: {  	_ =	swait.ge [sflag:s7], $0x1400  }
0xbb: {  	[sflag:s7] =	ssyncset.done $0x0  }
0xbc: {  	s23 =	sadd.s32 s15, s23;
	[sflag:s7] =	ssyncadd.s32 $0xFFFFEC00  }
0xbd: {  	[tilespmem:s9], [sflag:$0x5] =	stream.linear.gather [hbm4b:s23+s5], $0x1400, $0x38;
	[tilespmem:$0x16BC0] =	vst v63  }
0xbe: {  	_ =	swait.ge [sflag:s7], $0x1400  }
0xbf: {  	[sflag:s7] =	ssyncset.done $0x0  }
0xc0: {  	[sflag:s7] =	ssyncadd.s32 $0xFFFFEC00  }
0xc1: {  	[tilespmem:s11], [sflag:$0x1] =	stream.indirect.gather [hbm4b:s17+s10], $0x40, s8, s10, $0xb8;
	[tilespmem:$0x16BC0] =	vst v63  }
0xc2: {  	_ =	swait.ge [sflag:s13], $0x1F40  }
0xc3: {  	[sflag:s13] =	ssyncset.done $0x0  }
0xc4: {  	[sflag:s13] =	ssyncadd.s32 $0xFFFFE0C0  }
0xc5: {  	[tilespmem:s16], [sflag:$0x2] =	stream.indirect.gather [hbm4b:s17+s10], $0x40, s14, s10, $0xb8;
	[tilespmem:$0x16BC0] =	vst v63  }
0xc6: {  	_ = 	snop  }
0xc7: {  	[spmem:s2] =	stream.indirect.scatter.add.f32 [tilespmem:s11], [sflag:$0x3], $0x40, s9, s10, $0xb8;
	[tilespmem:$0x16BC0] =	vst v63  }
0xc8: {  	_ =	swait.ge [sflag:s18], $0x1F40  }
0xc9: {  	[sflag:s18] =	ssyncset.done $0x0  }
0xca: {  	[sflag:s18] =	ssyncadd.s32 $0xFFFFE0C0  }
0xcb: {  	[spmem:s2] =	stream.indirect.scatter.add.f32 [tilespmem:s16], [sflag:$0x4], $0x40, s19, s10, $0xb8;
	[tilespmem:$0x16BC0] =	vst v63  }
0xcc: {  	_ =	swait.ge [sflag:s21], $0x1F40  }
0xcd: {  	[sflag:s21] =	ssyncset.done $0x0  }
0xce: {  	s23 =	simm.s32 $0xFFFFB800;
	[sflag:s21] =	ssyncadd.s32 $0xFFFFE0C0  }
0xcf: {  	[tilespmem:s11], [sflag:$0x1] =	stream.indirect.gather [hbm4b:s17+s10], $0x40, s31, s10, $0xb8;
	[tilespmem:$0x16BC0] =	vst v63  }
.LBB2_5:
0xd0: {  	_ =	swait.ge [sflag:s13], $0x1F40  }
0xd1: {  	[sflag:s13] =	ssyncset.done $0x0  }
0xd2: {  	[sflag:s13] =	ssyncadd.s32 $0xFFFFE0C0  }
0xd3: {  	_ =	swait.ge [sflag:s0], $0x1F40  }
0xd4: {  	s24 =	sshra.s32 s23, $0x2;
	[sflag:s0] =	ssyncset.done $0x0  }
0xd5: {  	s25 =	sadd.s32 $0x11780, s24;
	[sflag:s0] =	ssyncadd.s32 $0xFFFFE0C0  }
0xd6: {  	[tilespmem:s16], [sflag:$0x2] =	stream.indirect.gather [hbm4b:s17+s10], $0x40, s25, s10, $0xb8;
	[tilespmem:$0x16BC0] =	vst v63  }
0xd7: {  	s28 =	sadd.s32 $0x12B00, s24  }
0xd8: {  	[spmem:s2] =	stream.indirect.scatter.add.f32 [tilespmem:s11], [sflag:$0x3], $0x40, s28, s10, $0xb8;
	[tilespmem:$0x16BC0] =	vst v63  }
0xd9: {  	_ =	swait.ge [sflag:s18], $0x1F40  }
0xda: {  	p0 =	seq.s32 s23, $0x0;
	[sflag:s18] =	ssyncset.done $0x0  }
.Ltmp5:
0xdb: {  	s29 =	sadd.s32 $0x12B80, s24;
	[sflag:s18] =	ssyncadd.s32 $0xFFFFE0C0;
	(pc) =	sbr.rel @p0 .LBB2_7-.Ltmp5, $4  }
0xdc: {  	[spmem:s2] =	stream.indirect.scatter.add.f32 [tilespmem:s16], [sflag:$0x4], $0x40, s29, s10, $0xb8;
	[tilespmem:$0x16BC0] =	vst v63  }
0xdd: {  	_ =	swait.ge [sflag:s21], $0x1F40  }
0xde: {  	[sflag:s21] =	ssyncset.done $0x0  }
0xdf: {  	[sflag:s21] =	ssyncadd.s32 $0xFFFFE0C0  }
.Ltmp6:
0xe0: {  	(pc) =	sbr.rel .LBB2_5-.Ltmp6, $3  }
0xe1: {  	_ =	sdelay $0x1  }
0xe2: {  	s24 =	sadd.s32 $0x11800, s24;
	s23 =	sadd.s32 $0x400, s23  }
0xe3: {  	[tilespmem:s11], [sflag:$0x1] =	stream.indirect.gather [hbm4b:s17+s10], $0x40, s24, s10, $0xb8;
	[tilespmem:$0x16BC0] =	vst v63  }
.LBB2_8:
0xe4: {  	s29 =	smov.u32 s26  }
0xe5: {  	[bflag:$0x0] =	sbarrier.arrive $0xFFFF;
	s22 =	simm.s32 $0x0;
	s23 =	simm.s32 $0x16A80  }
.LBB2_9:
0xe6: {  	s24 =	smul.u32 $0x50, s22;
	_ =	sdelay $0x1  }
0xe7: {  	s24 =	sadd.s32 s12, s24  }
0xe8: {  	s24 =	sshll.u32 s24, $0x6  }
0xe9: {  	s24 =	sand.u32 $0x3FFFFFC0, s24  }
0xea: {  	s24 =	sadd.s32 s24, s2  }
0xeb: {  	v1 =	vmov s23;
	[tilespmem:s6], [sflag:$0x5] =	stream.linear.gather [spmem:s24], $0x1400, $0x38;
	[tilespmem:$0x16BC0] =	vst v63  }
0xec: {  	_ =	swait.ge [sflag:s7], $0x1400  }
0xed: {  	[sflag:s7] =	ssyncset.done $0x0  }
0xee: {  	s25 =	simm.s32 $0xF200;
	s26 =	simm.s32 $0x0;
	[sflag:s7] =	ssyncadd.s32 $0xFFFFEC00  }
.LBB2_10:
0xef: {  	s28 =	sshra.s32 s26, $0x2  }
0xf0: {  	v2 =	vld.idx.msk [tilespmem:v1+s28+$0x0 ss:$0x1], $0xffff;
	_ =	sdelay $0x1  }
0xf1: {  	v3 =	vld [tilespmem:s25+$0xFFFFFE00];
	_ =	sdelay $0x2  }
0xf2: {  	v4 =	vbroadcast v2, $0x0;
	_ =	sdelay $0x1  }
0xf3: {  	v3 =	vmul.f32 v4, v3;
	_ =	sdelay $0x1  }
0xf4: {  	[tilespmem:s25+$0xFFFFFE00] =	vst v3;
	v3 =	vld [tilespmem:s25+$0xFFFFFE10];
	_ =	sdelay $0x4  }
0xf5: {  	v3 =	vmul.f32 v3, v4;
	_ =	sdelay $0x1  }
0xf6: {  	[tilespmem:s25+$0xFFFFFE10] =	vst v3;
	v3 =	vld [tilespmem:s25+$0xFFFFFE20];
	_ =	sdelay $0x4  }
0xf7: {  	v3 =	vmul.f32 v3, v4;
	_ =	sdelay $0x1  }
0xf8: {  	[tilespmem:s25+$0xFFFFFE20] =	vst v3;
	v3 =	vld [tilespmem:s25+$0xFFFFFE30];
	_ =	sdelay $0x4  }
0xf9: {  	v3 =	vmul.f32 v3, v4;
	_ =	sdelay $0x1  }
0xfa: {  	[tilespmem:s25+$0xFFFFFE30] =	vst v3;
	v3 =	vld [tilespmem:s25+$0xFFFFFE40];
	_ =	sdelay $0x2  }
0xfb: {  	v50 =	vbroadcast v2, $0x1;
	_ =	sdelay $0x1  }
0xfc: {  	v3 =	vmul.f32 v3, v50;
	_ =	sdelay $0x1  }
0xfd: {  	[tilespmem:s25+$0xFFFFFE40] =	vst v3;
	v3 =	vld [tilespmem:s25+$0xFFFFFE50];
	_ =	sdelay $0x4  }
0xfe: {  	v3 =	vmul.f32 v3, v50;
	_ =	sdelay $0x1  }
0xff: {  	[tilespmem:s25+$0xFFFFFE50] =	vst v3;
	v3 =	vld [tilespmem:s25+$0xFFFFFE60];
	_ =	sdelay $0x4  }
0x100: {  	v3 =	vmul.f32 v3, v50;
	_ =	sdelay $0x1  }
0x101: {  	[tilespmem:s25+$0xFFFFFE60] =	vst v3;
	v3 =	vld [tilespmem:s25+$0xFFFFFE70];
	_ =	sdelay $0x4  }
0x102: {  	v3 =	vmul.f32 v3, v50;
	_ =	sdelay $0x1  }
0x103: {  	[tilespmem:s25+$0xFFFFFE70] =	vst v3;
	v3 =	vld [tilespmem:s25+$0xFFFFFE80];
	_ =	sdelay $0x2  }
0x104: {  	v51 =	vbroadcast v2, $0x2;
	_ =	sdelay $0x1  }
0x105: {  	v3 =	vmul.f32 v3, v51;
	_ =	sdelay $0x1  }
0x106: {  	[tilespmem:s25+$0xFFFFFE80] =	vst v3;
	v3 =	vld [tilespmem:s25+$0xFFFFFE90];
	_ =	sdelay $0x4  }
0x107: {  	v3 =	vmul.f32 v3, v51;
	_ =	sdelay $0x1  }
0x108: {  	[tilespmem:s25+$0xFFFFFE90] =	vst v3;
	v3 =	vld [tilespmem:s25+$0xFFFFFEA0];
	_ =	sdelay $0x4  }
0x109: {  	v3 =	vmul.f32 v3, v51;
	_ =	sdelay $0x1  }
0x10a: {  	[tilespmem:s25+$0xFFFFFEA0] =	vst v3;
	v3 =	vld [tilespmem:s25+$0xFFFFFEB0];
	_ =	sdelay $0x4  }
0x10b: {  	v3 =	vmul.f32 v3, v51;
	_ =	sdelay $0x1  }
0x10c: {  	[tilespmem:s25+$0xFFFFFEB0] =	vst v3;
	v3 =	vld [tilespmem:s25+$0xFFFFFEC0];
	_ =	sdelay $0x2  }
0x10d: {  	v52 =	vbroadcast v2, $0x3;
	_ =	sdelay $0x1  }
0x10e: {  	v3 =	vmul.f32 v3, v52;
	_ =	sdelay $0x1  }
0x10f: {  	[tilespmem:s25+$0xFFFFFEC0] =	vst v3;
	v3 =	vld [tilespmem:s25+$0xFFFFFED0];
	_ =	sdelay $0x4  }
0x110: {  	v3 =	vmul.f32 v3, v52;
	_ =	sdelay $0x1  }
0x111: {  	[tilespmem:s25+$0xFFFFFED0] =	vst v3;
	v3 =	vld [tilespmem:s25+$0xFFFFFEE0];
	_ =	sdelay $0x4  }
0x112: {  	v3 =	vmul.f32 v3, v52;
	_ =	sdelay $0x1  }
0x113: {  	[tilespmem:s25+$0xFFFFFEE0] =	vst v3;
	v3 =	vld [tilespmem:s25+$0xFFFFFEF0];
	_ =	sdelay $0x4  }
0x114: {  	v3 =	vmul.f32 v3, v52;
	_ =	sdelay $0x1  }
0x115: {  	[tilespmem:s25+$0xFFFFFEF0] =	vst v3;
	v3 =	vld [tilespmem:s25+$0xFFFFFF00];
	_ =	sdelay $0x2  }
0x116: {  	v53 =	vbroadcast v2, $0x4;
	_ =	sdelay $0x1  }
0x117: {  	v3 =	vmul.f32 v3, v53;
	_ =	sdelay $0x1  }
0x118: {  	[tilespmem:s25+$0xFFFFFF00] =	vst v3;
	v3 =	vld [tilespmem:s25+$0xFFFFFF10];
	_ =	sdelay $0x4  }
0x119: {  	v3 =	vmul.f32 v3, v53;
	_ =	sdelay $0x1  }
0x11a: {  	[tilespmem:s25+$0xFFFFFF10] =	vst v3;
	v3 =	vld [tilespmem:s25+$0xFFFFFF20];
	_ =	sdelay $0x4  }
0x11b: {  	v3 =	vmul.f32 v3, v53;
	_ =	sdelay $0x1  }
0x11c: {  	[tilespmem:s25+$0xFFFFFF20] =	vst v3;
	v3 =	vld [tilespmem:s25+$0xFFFFFF30];
	_ =	sdelay $0x4  }
0x11d: {  	v3 =	vmul.f32 v3, v53;
	_ =	sdelay $0x1  }
0x11e: {  	[tilespmem:s25+$0xFFFFFF30] =	vst v3;
	v3 =	vld [tilespmem:s25+$0xFFFFFF40];
	_ =	sdelay $0x2  }
0x11f: {  	v54 =	vbroadcast v2, $0x5;
	_ =	sdelay $0x1  }
0x120: {  	v3 =	vmul.f32 v3, v54;
	_ =	sdelay $0x1  }
0x121: {  	[tilespmem:s25+$0xFFFFFF40] =	vst v3;
	v3 =	vld [tilespmem:s25+$0xFFFFFF50];
	_ =	sdelay $0x4  }
0x122: {  	v3 =	vmul.f32 v3, v54;
	_ =	sdelay $0x1  }
0x123: {  	[tilespmem:s25+$0xFFFFFF50] =	vst v3;
	v3 =	vld [tilespmem:s25+$0xFFFFFF60];
	_ =	sdelay $0x4  }
0x124: {  	v3 =	vmul.f32 v3, v54;
	_ =	sdelay $0x1  }
0x125: {  	[tilespmem:s25+$0xFFFFFF60] =	vst v3;
	v3 =	vld [tilespmem:s25+$0xFFFFFF70];
	_ =	sdelay $0x4  }
0x126: {  	v3 =	vmul.f32 v3, v54;
	_ =	sdelay $0x1  }
0x127: {  	[tilespmem:s25+$0xFFFFFF70] =	vst v3;
	v3 =	vld [tilespmem:s25+$0xFFFFFF80];
	_ =	sdelay $0x2  }
0x128: {  	v55 =	vbroadcast v2, $0x6;
	_ =	sdelay $0x1  }
0x129: {  	v3 =	vmul.f32 v3, v55;
	_ =	sdelay $0x1  }
0x12a: {  	[tilespmem:s25+$0xFFFFFF80] =	vst v3;
	v3 =	vld [tilespmem:s25+$0xFFFFFF90];
	_ =	sdelay $0x4  }
0x12b: {  	v3 =	vmul.f32 v3, v55;
	_ =	sdelay $0x1  }
0x12c: {  	[tilespmem:s25+$0xFFFFFF90] =	vst v3;
	v3 =	vld [tilespmem:s25+$0xFFFFFFA0];
	_ =	sdelay $0x4  }
0x12d: {  	v3 =	vmul.f32 v3, v55;
	_ =	sdelay $0x1  }
0x12e: {  	[tilespmem:s25+$0xFFFFFFA0] =	vst v3;
	v3 =	vld [tilespmem:s25+$0xFFFFFFB0];
	_ =	sdelay $0x4  }
0x12f: {  	v3 =	vmul.f32 v3, v55;
	_ =	sdelay $0x1  }
0x130: {  	[tilespmem:s25+$0xFFFFFFB0] =	vst v3;
	v3 =	vld [tilespmem:s25+$0xFFFFFFC0];
	_ =	sdelay $0x2  }
0x131: {  	v56 =	vbroadcast v2, $0x7;
	_ =	sdelay $0x1  }
0x132: {  	v3 =	vmul.f32 v3, v56;
	_ =	sdelay $0x1  }
0x133: {  	[tilespmem:s25+$0xFFFFFFC0] =	vst v3;
	v3 =	vld [tilespmem:s25+$0xFFFFFFD0];
	_ =	sdelay $0x4  }
0x134: {  	v3 =	vmul.f32 v3, v56;
	_ =	sdelay $0x1  }
0x135: {  	[tilespmem:s25+$0xFFFFFFD0] =	vst v3;
	v3 =	vld [tilespmem:s25+$0xFFFFFFE0];
	_ =	sdelay $0x4  }
0x136: {  	v3 =	vmul.f32 v3, v56;
	_ =	sdelay $0x1  }
0x137: {  	[tilespmem:s25+$0xFFFFFFE0] =	vst v3;
	v3 =	vld [tilespmem:s25+$0xFFFFFFF0];
	_ =	sdelay $0x4  }
0x138: {  	v3 =	vmul.f32 v3, v56;
	_ =	sdelay $0x1  }
0x139: {  	[tilespmem:s25+$0xFFFFFFF0] =	vst v3;
	v3 =	vld [tilespmem:s25+$0x0];
	_ =	sdelay $0x2  }
0x13a: {  	v57 =	vbroadcast v2, $0x8;
	_ =	sdelay $0x1  }
0x13b: {  	v3 =	vmul.f32 v3, v57;
	_ =	sdelay $0x1  }
0x13c: {  	[tilespmem:s25+$0x0] =	vst v3;
	v3 =	vld [tilespmem:s25+$0x10];
	_ =	sdelay $0x4  }
0x13d: {  	v3 =	vmul.f32 v3, v57;
	_ =	sdelay $0x1  }
0x13e: {  	[tilespmem:s25+$0x10] =	vst v3;
	v3 =	vld [tilespmem:s25+$0x20];
	_ =	sdelay $0x4  }
0x13f: {  	v3 =	vmul.f32 v3, v57;
	_ =	sdelay $0x1  }
0x140: {  	[tilespmem:s25+$0x20] =	vst v3;
	v3 =	vld [tilespmem:s25+$0x30];
	_ =	sdelay $0x4  }
0x141: {  	v3 =	vmul.f32 v3, v57;
	_ =	sdelay $0x1  }
0x142: {  	[tilespmem:s25+$0x30] =	vst v3;
	v3 =	vld [tilespmem:s25+$0x40];
	_ =	sdelay $0x2  }
0x143: {  	v58 =	vbroadcast v2, $0x9;
	_ =	sdelay $0x1  }
0x144: {  	v3 =	vmul.f32 v3, v58;
	_ =	sdelay $0x1  }
0x145: {  	[tilespmem:s25+$0x40] =	vst v3;
	v3 =	vld [tilespmem:s25+$0x50];
	_ =	sdelay $0x4  }
0x146: {  	v3 =	vmul.f32 v3, v58;
	_ =	sdelay $0x1  }
0x147: {  	[tilespmem:s25+$0x50] =	vst v3;
	v3 =	vld [tilespmem:s25+$0x60];
	_ =	sdelay $0x4  }
0x148: {  	v3 =	vmul.f32 v3, v58;
	_ =	sdelay $0x1  }
0x149: {  	[tilespmem:s25+$0x60] =	vst v3;
	v3 =	vld [tilespmem:s25+$0x70];
	_ =	sdelay $0x4  }
0x14a: {  	v3 =	vmul.f32 v3, v58;
	_ =	sdelay $0x1  }
0x14b: {  	[tilespmem:s25+$0x70] =	vst v3;
	v3 =	vld [tilespmem:s25+$0x80];
	_ =	sdelay $0x2  }
0x14c: {  	v59 =	vbroadcast v2, $0xA;
	_ =	sdelay $0x1  }
0x14d: {  	v3 =	vmul.f32 v3, v59;
	_ =	sdelay $0x1  }
0x14e: {  	[tilespmem:s25+$0x80] =	vst v3;
	v3 =	vld [tilespmem:s25+$0x90];
	_ =	sdelay $0x4  }
0x14f: {  	v3 =	vmul.f32 v3, v59;
	_ =	sdelay $0x1  }
0x150: {  	[tilespmem:s25+$0x90] =	vst v3;
	v3 =	vld [tilespmem:s25+$0xA0];
	_ =	sdelay $0x4  }
0x151: {  	v3 =	vmul.f32 v3, v59;
	_ =	sdelay $0x1  }
0x152: {  	[tilespmem:s25+$0xA0] =	vst v3;
	v3 =	vld [tilespmem:s25+$0xB0];
	_ =	sdelay $0x4  }
0x153: {  	v3 =	vmul.f32 v3, v59;
	_ =	sdelay $0x1  }
0x154: {  	[tilespmem:s25+$0xB0] =	vst v3;
	v3 =	vld [tilespmem:s25+$0xC0];
	_ =	sdelay $0x2  }
0x155: {  	v60 =	vbroadcast v2, $0xB;
	_ =	sdelay $0x1  }
0x156: {  	v3 =	vmul.f32 v3, v60;
	_ =	sdelay $0x1  }
0x157: {  	[tilespmem:s25+$0xC0] =	vst v3;
	v3 =	vld [tilespmem:s25+$0xD0];
	_ =	sdelay $0x4  }
0x158: {  	v3 =	vmul.f32 v3, v60;
	_ =	sdelay $0x1  }
0x159: {  	[tilespmem:s25+$0xD0] =	vst v3;
	v3 =	vld [tilespmem:s25+$0xE0];
	_ =	sdelay $0x4  }
0x15a: {  	v3 =	vmul.f32 v3, v60;
	_ =	sdelay $0x1  }
0x15b: {  	[tilespmem:s25+$0xE0] =	vst v3;
	v3 =	vld [tilespmem:s25+$0xF0];
	_ =	sdelay $0x4  }
0x15c: {  	v3 =	vmul.f32 v3, v60;
	_ =	sdelay $0x1  }
0x15d: {  	[tilespmem:s25+$0xF0] =	vst v3;
	v3 =	vld [tilespmem:s25+$0x100];
	_ =	sdelay $0x2  }
0x15e: {  	v61 =	vbroadcast v2, $0xC;
	_ =	sdelay $0x1  }
0x15f: {  	v3 =	vmul.f32 v3, v61;
	_ =	sdelay $0x1  }
0x160: {  	[tilespmem:s25+$0x100] =	vst v3;
	v3 =	vld [tilespmem:s25+$0x110];
	_ =	sdelay $0x4  }
0x161: {  	v3 =	vmul.f32 v3, v61;
	_ =	sdelay $0x1  }
0x162: {  	[tilespmem:s25+$0x110] =	vst v3;
	v3 =	vld [tilespmem:s25+$0x120];
	_ =	sdelay $0x4  }
0x163: {  	v3 =	vmul.f32 v3, v61;
	_ =	sdelay $0x1  }
0x164: {  	[tilespmem:s25+$0x120] =	vst v3;
	v3 =	vld [tilespmem:s25+$0x130];
	_ =	sdelay $0x4  }
0x165: {  	v3 =	vmul.f32 v3, v61;
	_ =	sdelay $0x1  }
0x166: {  	[tilespmem:s25+$0x130] =	vst v3;
	v3 =	vld [tilespmem:s25+$0x140];
	_ =	sdelay $0x2  }
0x167: {  	v62 =	vbroadcast v2, $0xD;
	_ =	sdelay $0x1  }
0x168: {  	v3 =	vmul.f32 v3, v62;
	_ =	sdelay $0x1  }
0x169: {  	[tilespmem:s25+$0x140] =	vst v3;
	v3 =	vld [tilespmem:s25+$0x150];
	_ =	sdelay $0x4  }
0x16a: {  	v3 =	vmul.f32 v3, v62;
	_ =	sdelay $0x1  }
0x16b: {  	[tilespmem:s25+$0x150] =	vst v3;
	v3 =	vld [tilespmem:s25+$0x160];
	_ =	sdelay $0x4  }
0x16c: {  	v3 =	vmul.f32 v3, v62;
	_ =	sdelay $0x1  }
0x16d: {  	[tilespmem:s25+$0x160] =	vst v3;
	v3 =	vld [tilespmem:s25+$0x170];
	_ =	sdelay $0x4  }
0x16e: {  	v3 =	vmul.f32 v3, v62;
	_ =	sdelay $0x1  }
0x16f: {  	[tilespmem:s25+$0x170] =	vst v3;
	v3 =	vld [tilespmem:s25+$0x180];
	_ =	sdelay $0x2  }
0x170: {  	v63 =	vbroadcast v2, $0xE;
	_ =	sdelay $0x1  }
0x171: {  	v3 =	vmul.f32 v3, v63;
	_ =	sdelay $0x1  }
0x172: {  	[tilespmem:s25+$0x180] =	vst v3;
	v3 =	vld [tilespmem:s25+$0x190];
	_ =	sdelay $0x4  }
0x173: {  	v3 =	vmul.f32 v3, v63;
	_ =	sdelay $0x1  }
0x174: {  	[tilespmem:s25+$0x190] =	vst v3;
	v3 =	vld [tilespmem:s25+$0x1A0];
	_ =	sdelay $0x4  }
0x175: {  	v3 =	vmul.f32 v3, v63;
	_ =	sdelay $0x1  }
0x176: {  	[tilespmem:s25+$0x1A0] =	vst v3;
	v3 =	vld [tilespmem:s25+$0x1B0];
	_ =	sdelay $0x4  }
0x177: {  	v3 =	vmul.f32 v3, v63;
	_ =	sdelay $0x1  }
0x178: {  	[tilespmem:s25+$0x1B0] =	vst v3;
	v3 =	vld [tilespmem:s25+$0x1C0];
	_ =	sdelay $0x2  }
0x179: {  	v2 =	vbroadcast v2, $0xF;
	_ =	sdelay $0x1  }
0x17a: {  	v3 =	vmul.f32 v3, v2;
	_ =	sdelay $0x1  }
0x17b: {  	[tilespmem:s25+$0x1C0] =	vst v3;
	v3 =	vld [tilespmem:s25+$0x1D0];
	_ =	sdelay $0x4  }
0x17c: {  	v3 =	vmul.f32 v3, v2;
	_ =	sdelay $0x1  }
0x17d: {  	[tilespmem:s25+$0x1D0] =	vst v3;
	v3 =	vld [tilespmem:s25+$0x1E0];
	_ =	sdelay $0x4  }
0x17e: {  	v3 =	vmul.f32 v3, v2;
	_ =	sdelay $0x1  }
0x17f: {  	[tilespmem:s25+$0x1E0] =	vst v3;
	v3 =	vld [tilespmem:s25+$0x1F0];
	_ =	sdelay $0x1  }
0x180: {  	p0 =	sne.s32 s26, $0x100  }
.Ltmp7:
0x181: {  	_ = 	snop;
	(pc) =	sbr.rel @p0 .LBB2_10-.Ltmp7, $3  }
0x182: {  	_ = 	snop  }
0x183: {  	v2 =	vmul.f32 v3, v2;
	_ =	sdelay $0x1  }
0x184: {  	s26 =	sadd.s32 $0x40, s26;
	[tilespmem:s25+$0x1F0] =	vst v2;
	s25 =	sadd.s32 $0x400, s25  }
0x185: {  	s22 =	sadd.s32 $0x1, s22  }
0x186: {  	p0 =	sne.s32 s22, $0x4  }
.Ltmp8:
0x187: {  	_ = 	snop;
	(pc) =	sbr.rel @p0 .LBB2_9-.Ltmp8, $4  }
0x188: {  	[spmem:s24] =	stream.linear.scatter [tilespmem:s6], [sflag:$0x5], $0x1400, $0x38;
	[tilespmem:$0x16BC0] =	vst v63  }
0x189: {  	_ =	swait.ge [sflag:s7], $0x1400  }
0x18a: {  	[sflag:s7] =	ssyncset.done $0x0  }
0x18b: {  	s23 =	sadd.s32 $0x50, s23;
	[sflag:s7] =	ssyncadd.s32 $0xFFFFEC00  }
.Ltmp9:
0x18c: {  	(pc) =	sbr.rel .LBB2_13-.Ltmp9, $4  }
0x18d: {  	_ = 	snop  }
0x18e: {  	[bflag:$0x0] =	sbarrier.arrive $0xFFFF  }
0x18f: {  	s28 =	rddreg [dreg:$0x13]  }
0x190: {  	s22 =	simm.s32 $0x0;
	s26 =	smov.u32 s29;
	s29 =	rddreg [dreg:$0x14]  }
.LBB2_16:
0x191: {  	s22 =	sadd.s32 $0x1, s22  }
0x192: {  	p0 =	sne.s32 s22, $0x4  }
.Ltmp10:
0x193: {  	_ = 	snop;
	(pc) =	sbr.rel @!p0 .LBB2_17-.Ltmp10, $4  }
0x194: {  	_ = 	snop  }
0x195: {  	_ =	swait.ge [sflag:s0], $0x1F40  }
0x196: {  	[sflag:s0] =	ssyncset.done $0x0  }
0x197: {  	[sflag:s0] =	ssyncadd.s32 $0xFFFFE0C0  }
.LBB2_13:
0x198: {  	s23 =	smul.u32 $0x1400, s22;
	_ =	sdelay $0x1  }
0x199: {  	s23 =	sadd.s32 s30, s23  }
0x19a: {  	s23 =	sshrl.u32 s23, $0x3  }
0x19b: {  	s24 =	sadd.s32 s1, s23  }
0x19c: {  	[tilespmem:s8], [sflag:$0x5] =	stream.linear.gather [hbm4b:s24+s5], $0x1400, $0x38;
	[tilespmem:$0x16BC0] =	vst v63  }
0x19d: {  	_ =	swait.ge [sflag:s7], $0x1400  }
0x19e: {  	[sflag:s7] =	ssyncset.done $0x0  }
0x19f: {  	s23 =	sadd.s32 s15, s23;
	[sflag:s7] =	ssyncadd.s32 $0xFFFFEC00  }
0x1a0: {  	[tilespmem:s9], [sflag:$0x5] =	stream.linear.gather [hbm4b:s23+s5], $0x1400, $0x38;
	[tilespmem:$0x16BC0] =	vst v63  }
0x1a1: {  	_ =	swait.ge [sflag:s7], $0x1400  }
0x1a2: {  	[sflag:s7] =	ssyncset.done $0x0  }
0x1a3: {  	[sflag:s7] =	ssyncadd.s32 $0xFFFFEC00  }
0x1a4: {  	[tilespmem:s11], [sflag:$0x1] =	stream.indirect.gather [spmem:s2], $0x40, s9, s10, $0xb8;
	[tilespmem:$0x16BC0] =	vst v63  }
0x1a5: {  	_ =	swait.ge [sflag:s13], $0x1F40  }
0x1a6: {  	[sflag:s13] =	ssyncset.done $0x0  }
0x1a7: {  	[sflag:s13] =	ssyncadd.s32 $0xFFFFE0C0  }
0x1a8: {  	[tilespmem:s16], [sflag:$0x2] =	stream.indirect.gather [spmem:s2], $0x40, s19, s10, $0xb8;
	[tilespmem:$0x16BC0] =	vst v63  }
0x1a9: {  	_ = 	snop  }
0x1aa: {  	[spmem:s3] =	stream.indirect.scatter.add.f32 [tilespmem:s11], [sflag:$0x3], $0x40, s8, s10, $0xb8;
	[tilespmem:$0x16BC0] =	vst v63  }
0x1ab: {  	_ =	swait.ge [sflag:s18], $0x1F40  }
0x1ac: {  	[sflag:s18] =	ssyncset.done $0x0  }
0x1ad: {  	[sflag:s18] =	ssyncadd.s32 $0xFFFFE0C0  }
0x1ae: {  	[spmem:s3] =	stream.indirect.scatter.add.f32 [tilespmem:s16], [sflag:$0x4], $0x40, s14, s10, $0xb8;
	[tilespmem:$0x16BC0] =	vst v63  }
0x1af: {  	_ =	swait.ge [sflag:s21], $0x1F40  }
0x1b0: {  	[sflag:s21] =	ssyncset.done $0x0  }
0x1b1: {  	s23 =	simm.s32 $0xFFFFB800;
	[sflag:s21] =	ssyncadd.s32 $0xFFFFE0C0  }
0x1b2: {  	[tilespmem:s11], [sflag:$0x1] =	stream.indirect.gather [spmem:s2], $0x40, s4, s10, $0xb8;
	[tilespmem:$0x16BC0] =	vst v63  }
.LBB2_14:
0x1b3: {  	_ =	swait.ge [sflag:s13], $0x1F40  }
0x1b4: {  	[sflag:s13] =	ssyncset.done $0x0  }
0x1b5: {  	[sflag:s13] =	ssyncadd.s32 $0xFFFFE0C0  }
0x1b6: {  	_ =	swait.ge [sflag:s0], $0x1F40  }
0x1b7: {  	s24 =	sshra.s32 s23, $0x2;
	[sflag:s0] =	ssyncset.done $0x0  }
0x1b8: {  	s25 =	sadd.s32 $0x12B80, s24;
	[sflag:s0] =	ssyncadd.s32 $0xFFFFE0C0  }
0x1b9: {  	[tilespmem:s16], [sflag:$0x2] =	stream.indirect.gather [spmem:s2], $0x40, s25, s10, $0xb8;
	[tilespmem:$0x16BC0] =	vst v63  }
0x1ba: {  	s25 =	sadd.s32 $0x11700, s24  }
0x1bb: {  	[spmem:s3] =	stream.indirect.scatter.add.f32 [tilespmem:s11], [sflag:$0x3], $0x40, s25, s10, $0xb8;
	[tilespmem:$0x16BC0] =	vst v63  }
0x1bc: {  	_ =	swait.ge [sflag:s18], $0x1F40  }
0x1bd: {  	p0 =	seq.s32 s23, $0x0;
	[sflag:s18] =	ssyncset.done $0x0  }
.Ltmp11:
0x1be: {  	s25 =	sadd.s32 $0x11780, s24;
	[sflag:s18] =	ssyncadd.s32 $0xFFFFE0C0;
	(pc) =	sbr.rel @p0 .LBB2_16-.Ltmp11, $4  }
0x1bf: {  	[spmem:s3] =	stream.indirect.scatter.add.f32 [tilespmem:s16], [sflag:$0x4], $0x40, s25, s10, $0xb8;
	[tilespmem:$0x16BC0] =	vst v63  }
0x1c0: {  	_ =	swait.ge [sflag:s21], $0x1F40  }
0x1c1: {  	[sflag:s21] =	ssyncset.done $0x0  }
0x1c2: {  	[sflag:s21] =	ssyncadd.s32 $0xFFFFE0C0  }
.Ltmp12:
0x1c3: {  	(pc) =	sbr.rel .LBB2_14-.Ltmp12, $3  }
0x1c4: {  	_ =	sdelay $0x1  }
0x1c5: {  	s24 =	sadd.s32 $0x12C00, s24;
	s23 =	sadd.s32 $0x400, s23  }
0x1c6: {  	[tilespmem:s11], [sflag:$0x1] =	stream.indirect.gather [spmem:s2], $0x40, s24, s10, $0xb8;
	[tilespmem:$0x16BC0] =	vst v63  }
.LBB2_18:
0x1c7: {  	_ =	sfence.sel $0x180000  }
0x1c8: {  	[bflag:$0x0] =	sbarrier.arrive $0xFFFF  }
0x1c9: {  	_ =	strace $0x90000047  }
0x1ca: {  	s0 =	stileid.u32;
	[bflag:$0x2] =	sbarrier.arrive $0xFFFF  }
0x1cb: {  	p0 =	sne.s32 s0, $0x0;
	s0 =	rddreg [dreg:$0x4]  }
0x1cc: {  	s0 =	sadd.s32 @!p0 $0x100000, s0  }
0x1cd: {  	[sflag:s0] =	ssyncadd.tile.s32 @!p0 $0x1;
	_ =	shalt  }
.Lfunc_end2:
_tile_overlayer_lowered:
.L_overlay_start_2:
0x1ce: {  	(tag) =	ssettag $0x2  }
0x1cf: {  	s0 =	rddreg [dreg:$0x0];
	s2 =	stileid.u32  }
0x1d0: {  	s1 =	rddreg [dreg:$0x1];
	p0 =	sne.s32 s2, $0x0  }
0x1d1: {  	s3 =	rddreg [dreg:$0x2];
	[bflag:$0x3] =	sbarrier.arrive $0xFFFF;
	s2 =	simm.s32 @!p0 $0x1C05  }
0x1d2: {  	[timem:s3], [sflag:s2] =	dma.local @!p0 [hbm:s0], s1  }
0x1d3: {  	s0 =	simm.s32 @!p0 $0x5  }
0x1d4: {  	_ =	swait.ge @!p0 [sflag:s0], s1  }
0x1d5: {  	s1 =	ssub.s32 @!p0 $0x0, s1;
	[sflag:s0] =	ssyncset.done @!p0 $0x0  }
0x1d6: {  	[sflag:s0] =	ssyncadd.s32 @!p0 s1  }
0x1d7: {  	[bflag:$0x3] =	sbarrier.arrive $0xFFFF  }
0x1d8: {  	_ =	shalt  }

</sc_bundles>
